<compile_context>
chip_gen: v7x
topology: tpu7x:2x2x1
jax: 0.10.2.dev20260603
libtpu: 0.0.44.dev20260713+nightly
codegen_flags: <defaults>
</compile_context>

<pallas_src>
import functools

import jax
import jax.numpy as jnp
import numpy as np
from jax import lax
from jax.experimental import pallas as pl
from jax.experimental.pallas import tpu as pltpu
from jax.experimental.pallas import tpu_sc as plsc

B = 16384
NUM_FIELDS = 26
EMBED_DIM = 16
NUM_NUM = 13
EMBED_OUT = NUM_FIELDS * EMBED_DIM
H1 = 256
H2 = 128
TOTAL_LOOKUPS = B * NUM_FIELDS
TOTAL_ROWS = NUM_FIELDS * 100000
_OFFSETS = (np.arange(NUM_FIELDS, dtype=np.int32) * 100000)

NC = 2
NS = 16
NW = NC * NS
B_PER_W = TOTAL_LOOKUPS // NW
F_PAD = 32
SEG = 4
TOTAL_UNITS = B * F_PAD
OUT_ROWS = TOTAL_UNITS * EMBED_DIM // 128
IDX_MINOR = 128
U_PER_W = TOTAL_UNITS // NW
NBATCH = U_PER_W // IDX_MINOR
KFIRE = 8
NOUTER = NBATCH // KFIRE
ROWS_BUF = KFIRE * IDX_MINOR
OUTR_PER_W = U_PER_W * EMBED_DIM // 128
OUTR_PER_IT = ROWS_BUF * EMBED_DIM // 128
EMBED_PER_ROW = 128 // EMBED_DIM


_ROWS_PER_IT = ROWS_BUF // F_PAD


def _sc_gather_body(table_hbm, idx_hbm, out_hbm, idx_v, rows_v, stage, sem):
    wid = lax.axis_index("s") * NC + lax.axis_index("c")
    pltpu.sync_copy(idx_hbm.at[pl.ds(wid * NBATCH, NBATCH)], idx_v)

    def body(c, carry):
        cps = [
            pltpu.async_copy(
                table_hbm.at[idx_v.at[c * KFIRE + j]],
                rows_v.at[pl.ds(j * IDX_MINOR, IDX_MINOR)],
                sem,
            )
            for j in range(KFIRE)
        ]
        for cp in cps:
            cp.wait()

        def repack(b_off, carry2):
            base = b_off * F_PAD
            for f in range(F_PAD):
                stage[(f // EMBED_PER_ROW) * _ROWS_PER_IT + b_off,
                      pl.ds((f % EMBED_PER_ROW) * EMBED_DIM, EMBED_DIM)] = (
                    rows_v[base + f, :])
            return carry2

        lax.fori_loop(0, _ROWS_PER_IT, repack, 0)
        for s in range(SEG):
            pltpu.sync_copy(
                stage.at[pl.ds(s * _ROWS_PER_IT, _ROWS_PER_IT)],
                out_hbm.at[pl.ds(wid * OUTR_PER_W + s * _BLK1
                                 + c * _ROWS_PER_IT, _ROWS_PER_IT)],
            )
        return carry

    lax.fori_loop(0, NOUTER, body, 0)


@functools.cache
def _make_sc_gather():
    return functools.partial(
        pl.kernel,
        mesh=plsc.VectorSubcoreMesh(core_axis_name="c", subcore_axis_name="s"),
        compiler_params=pltpu.CompilerParams(use_tc_tiling_on_sc=False),
        out_type=jax.ShapeDtypeStruct((OUT_ROWS, 128), jnp.float32),
        scratch_types=[
            pltpu.VMEM((NBATCH, IDX_MINOR), jnp.int32),
            pltpu.VMEM((ROWS_BUF, EMBED_DIM), jnp.float32),
            pltpu.VMEM((OUTR_PER_IT, 128), jnp.float32),
            pltpu.SemaphoreType.DMA,
        ],
    )(_sc_gather_body)


_DET_W = 16384
_DET_NBLK = (TOTAL_ROWS + _DET_W - 1) // _DET_W


def _detile_body(xt_ref, out_ref):
    xt = xt_ref[...]
    y3 = xt.T.reshape(_DET_W // 8, 8, EMBED_DIM)
    out_ref[...] = jnp.concatenate([y3[:, q, :] for q in range(8)], axis=1)


def _idx_body(cat_ref, out_ref):
    i = pl.program_id(0)
    cat = cat_ref[...]
    offs = 100000 * lax.broadcasted_iota(jnp.int32, (_BLK1, NUM_FIELDS), 1)
    idxf = cat + offs
    grow = i * _BLK1 + lax.broadcasted_iota(
        jnp.int32, (_BLK1, F_PAD - NUM_FIELDS), 0)
    j6 = lax.broadcasted_iota(jnp.int32, (_BLK1, F_PAD - NUM_FIELDS), 1)
    ie = jnp.concatenate([idxf, grow * (F_PAD - NUM_FIELDS) + j6], axis=1)
    ie3 = ie.reshape(_BLK1 // SEG, SEG, F_PAD)
    out_ref[...] = jnp.concatenate(
        [ie3[:, p, :] for p in range(SEG)], axis=1)


def _k1_body(x_ref, w1_ref, b1_ref, cat_ref, num_ref, wwc_ref, wwn_ref, wb_ref,
             h1_ref, s_ref, sq_ref, wide_ref):
    i = pl.program_id(0)
    h = b1_ref[...]
    for s in range(SEG):
        h = h + jnp.dot(x_ref[pl.ds(s * _BLK1, _BLK1), :],
                        w1_ref[pl.ds(s * 128, 128), :],
                        preferred_element_type=jnp.float32)
    h1_ref[...] = h
    s = jnp.sum(h, axis=0, keepdims=True)
    sq = jnp.sum(h * h, axis=0, keepdims=True)

    @pl.when(i == 0)
    def _init():
        s_ref[...] = s
        sq_ref[...] = sq

    @pl.when(i > 0)
    def _acc():
        s_ref[...] += s
        sq_ref[...] += sq

    catf = cat_ref[...].astype(jnp.float32) * (1.0 / 100000.0)
    wide = (jnp.dot(catf, wwc_ref[...], preferred_element_type=jnp.float32)
            + jnp.dot(num_ref[...], wwn_ref[...], preferred_element_type=jnp.float32)
            + wb_ref[...])
    wide_ref[...] = wide


def _k2_body(h1_ref, s_ref, sq_ref, g_ref, be_ref, w2_ref, b2_ref,
             h2_ref, s2_ref, sq2_ref):
    i = pl.program_id(0)
    inv_b = 1.0 / B
    mean = s_ref[...] * inv_b
    var = sq_ref[...] * inv_b - mean * mean
    scale = g_ref[...] * lax.rsqrt(var + 1e-5)
    shift = be_ref[...] - mean * scale
    a = jnp.maximum(h1_ref[...] * scale + shift, 0.0)
    h2 = jnp.dot(a, w2_ref[...], preferred_element_type=jnp.float32) + b2_ref[...]
    h2_ref[...] = h2
    s2 = jnp.sum(h2, axis=0, keepdims=True)
    sq2 = jnp.sum(h2 * h2, axis=0, keepdims=True)

    @pl.when(i == 0)
    def _init():
        s2_ref[...] = s2
        sq2_ref[...] = sq2

    @pl.when(i > 0)
    def _acc():
        s2_ref[...] += s2
        sq2_ref[...] += sq2


def _k3_body(h2_ref, s_ref, sq_ref, g_ref, be_ref, w3_ref, b3_ref, wide_ref, o_ref):
    inv_b = 1.0 / B
    mean = s_ref[...] * inv_b
    var = sq_ref[...] * inv_b - mean * mean
    scale = g_ref[...] * lax.rsqrt(var + 1e-5)
    shift = be_ref[...] - mean * scale
    a = jnp.maximum(h2_ref[...] * scale + shift, 0.0)
    logit = (jnp.dot(a, w3_ref[...], preferred_element_type=jnp.float32)
             + b3_ref[...] + wide_ref[...])
    o_ref[...] = jax.nn.sigmoid(logit)


_BLK1 = 512
_NBLK1 = B // _BLK1
_BLK = 1024
_NBLK = B // _BLK


def _row1_spec(cols):
    return pl.BlockSpec((_BLK1, cols), lambda i: (i, 0))


def _row_spec(cols):
    return pl.BlockSpec((_BLK, cols), lambda i: (i, 0))


def _full_spec(r, c):
    return pl.BlockSpec((r, c), lambda i: (0, 0))


def kernel(categorical_x, numerical_x, emb_table, wide_w, wide_b,
           W1, b1, g1, beta1, W2, b2, g2, beta2, W3, b3):
    idx = pl.pallas_call(
        _idx_body,
        grid=(_NBLK1,),
        in_specs=[_row1_spec(NUM_FIELDS)],
        out_specs=pl.BlockSpec((_BLK1 // SEG, 128), lambda i: (i, 0)),
        out_shape=jax.ShapeDtypeStruct((TOTAL_UNITS // 128, 128), jnp.int32),
    )(categorical_x)

    table_packed = pl.pallas_call(
        _detile_body,
        grid=(_DET_NBLK,),
        in_specs=[pl.BlockSpec((EMBED_DIM, _DET_W), lambda i: (0, i))],
        out_specs=pl.BlockSpec((_DET_W // 8, 128), lambda i: (i, 0)),
        out_shape=jax.ShapeDtypeStruct((TOTAL_ROWS // 8, 128), jnp.float32),
    )(emb_table.T)
    table_lin = table_packed.reshape(TOTAL_ROWS, EMBED_DIM)
    deep = _make_sc_gather()(table_lin, idx)
    W1p = jnp.concatenate(
        [W1, jnp.zeros((SEG * 128 - EMBED_OUT, H1), dtype=W1.dtype)], axis=0)

    b1r = b1.reshape(1, H1)
    g1r = g1.reshape(1, H1)
    be1r = beta1.reshape(1, H1)
    b2r = b2.reshape(1, H2)
    g2r = g2.reshape(1, H2)
    be2r = beta2.reshape(1, H2)
    b3r = b3.reshape(1, 1)
    wbr = wide_b.reshape(1, 1)
    wwc = wide_w[:NUM_FIELDS]
    wwn = wide_w[NUM_FIELDS:]

    h1, s1, sq1, wide = pl.pallas_call(
        _k1_body,
        grid=(_NBLK1,),
        in_specs=[
            pl.BlockSpec((SEG * _BLK1, 128), lambda i: (i, 0)),
            _full_spec(SEG * 128, H1),
            _full_spec(1, H1),
            _row1_spec(NUM_FIELDS),
            _row1_spec(NUM_NUM),
            _full_spec(NUM_FIELDS, 1),
            _full_spec(NUM_NUM, 1),
            _full_spec(1, 1),
        ],
        out_specs=[
            _row1_spec(H1),
            _full_spec(1, H1),
            _full_spec(1, H1),
            _row1_spec(1),
        ],
        out_shape=[
            jax.ShapeDtypeStruct((B, H1), jnp.float32),
            jax.ShapeDtypeStruct((1, H1), jnp.float32),
            jax.ShapeDtypeStruct((1, H1), jnp.float32),
            jax.ShapeDtypeStruct((B, 1), jnp.float32),
        ],
    )(deep, W1p, b1r, categorical_x, numerical_x, wwc, wwn, wbr)

    h2, s2, sq2 = pl.pallas_call(
        _k2_body,
        grid=(_NBLK,),
        in_specs=[
            _row_spec(H1),
            _full_spec(1, H1),
            _full_spec(1, H1),
            _full_spec(1, H1),
            _full_spec(1, H1),
            _full_spec(H1, H2),
            _full_spec(1, H2),
        ],
        out_specs=[
            _row_spec(H2),
            _full_spec(1, H2),
            _full_spec(1, H2),
        ],
        out_shape=[
            jax.ShapeDtypeStruct((B, H2), jnp.float32),
            jax.ShapeDtypeStruct((1, H2), jnp.float32),
            jax.ShapeDtypeStruct((1, H2), jnp.float32),
        ],
    )(h1, s1, sq1, g1r, be1r, W2, b2r)

    out = pl.pallas_call(
        _k3_body,
        grid=(_NBLK,),
        in_specs=[
            _row_spec(H2),
            _full_spec(1, H2),
            _full_spec(1, H2),
            _full_spec(1, H2),
            _full_spec(1, H2),
            _full_spec(H2, 1),
            _full_spec(1, 1),
            _row_spec(1),
        ],
        out_specs=_row_spec(1),
        out_shape=jax.ShapeDtypeStruct((B, 1), jnp.float32),
    )(h2, s2, sq2, g2r, be2r, W3, b3r, wide)

    return out

# --- scband reference (transcript-rebuilt; emitter-appended) ---
"""Pipeline reference for scband-wdlmodel-7945689497693 (READ-ONLY COPY).

The authoritative reference and input builder live on the scoring server;
editing this copy changes nothing except your own understanding.
"""

import jax, jax.numpy as jnp
import numpy as np

B = 16384
NUM_FIELDS = 26
FIELD_DIMS = [100000] * NUM_FIELDS
EMBED_DIM = 16
NUM_NUM = 13
MLP_DIMS = [256, 128]
EMBED_OUT = NUM_FIELDS * EMBED_DIM
OFFSETS = np.concatenate([[0], np.cumsum(FIELD_DIMS)[:-1]]).astype(np.int32)
TOTAL_ROWS = int(sum(FIELD_DIMS))


def setup_inputs(seed: int = 0):
    key = jax.random.key(seed)
    ks = jax.random.split(key, 16)
    categorical_x = jax.random.randint(ks[0], (B, NUM_FIELDS), 0, 100000, dtype=jnp.int32)
    numerical_x = jax.random.uniform(ks[1], (B, NUM_NUM), dtype=jnp.float32)
    emb_table = jax.random.normal(ks[2], (TOTAL_ROWS, EMBED_DIM), dtype=jnp.float32) * 0.01
    wide_w = jax.random.normal(ks[3], (NUM_NUM + NUM_FIELDS, 1), dtype=jnp.float32) * 0.05
    wide_b = jnp.zeros((1,), dtype=jnp.float32)
    W1 = jax.random.normal(ks[4], (EMBED_OUT, MLP_DIMS[0]), dtype=jnp.float32) * (1.0 / np.sqrt(EMBED_OUT))
    b1 = jnp.zeros((MLP_DIMS[0],), dtype=jnp.float32)
    g1 = jnp.ones((MLP_DIMS[0],), dtype=jnp.float32)
    beta1 = jnp.zeros((MLP_DIMS[0],), dtype=jnp.float32)
    W2 = jax.random.normal(ks[5], (MLP_DIMS[0], MLP_DIMS[1]), dtype=jnp.float32) * (1.0 / np.sqrt(MLP_DIMS[0]))
    b2 = jnp.zeros((MLP_DIMS[1],), dtype=jnp.float32)
    g2 = jnp.ones((MLP_DIMS[1],), dtype=jnp.float32)
    beta2 = jnp.zeros((MLP_DIMS[1],), dtype=jnp.float32)
    W3 = jax.random.normal(ks[6], (MLP_DIMS[1], 1), dtype=jnp.float32) * (1.0 / np.sqrt(MLP_DIMS[1]))
    b3 = jnp.zeros((1,), dtype=jnp.float32)
    return {"categorical_x": categorical_x, "numerical_x": numerical_x, "emb_table": emb_table,
            "wide_w": wide_w, "wide_b": wide_b, "W1": W1, "b1": b1, "g1": g1, "beta1": beta1,
            "W2": W2, "b2": b2, "g2": g2, "beta2": beta2, "W3": W3, "b3": b3}


def _bn(x, g, b):
    # BatchNorm1d in training mode (batch statistics, biased variance), eps=1e-5
    m = jnp.mean(x, axis=0, keepdims=True)
    v = jnp.var(x, axis=0, keepdims=True)
    return (x - m) / jnp.sqrt(v + 1e-5) * g + b


def reference(categorical_x, numerical_x, emb_table, wide_w, wide_b,
              W1, b1, g1, beta1, W2, b2, g2, beta2, W3, b3):
    field_dims = jnp.asarray(FIELD_DIMS, dtype=jnp.float32)
    # wide part: normalized categorical ids concat numerical
    wide_in = jnp.concatenate([categorical_x.astype(jnp.float32) / field_dims, numerical_x], axis=1)
    wide_out = wide_in @ wide_w + wide_b
    # deep part: shared embedding with per-field offsets (torchfm-style)
    offsets = jnp.asarray(OFFSETS, dtype=categorical_x.dtype)
    idx = categorical_x + offsets[None, :]
    deep_emb = jnp.take(emb_table, idx, axis=0).reshape(-1, EMBED_OUT)
    h = jax.nn.relu(_bn(deep_emb @ W1 + b1, g1, beta1))
    h = jax.nn.relu(_bn(h @ W2 + b2, g2, beta2))
    deep_out = h @ W3 + b3
    logit = wide_out + deep_out
    return jax.nn.sigmoid(logit)

if __name__ == "__main__":
    import jax
    _d = setup_inputs()
    print(jax.jit(kernel)(*tuple(_d.values())))

</pallas_src>

<mosaic_0001>
#map = affine_map<(d0, d1) -> (0, 0)>
module attributes {stable_mosaic.version = 14 : i64} {
  func.func @_sc_gather_body(%arg0: i32, %arg1: i32, %arg2: memref<2600000x16xf32, #tpu.memory_space<hbm>>, %arg3: memref<4096x128xi32, #tpu.memory_space<hbm>>, %arg4: memref<65536x128xf32, #tpu.memory_space<hbm>>, %arg5: memref<128x128xi32, #tpu.memory_space<vmem>>, %arg6: memref<1024x16xf32, #tpu.memory_space<vmem>>, %arg7: memref<128x128xf32, #tpu.memory_space<vmem>>, %arg8: memref<!tpu.dma_semaphore, #tpu.memory_space<semaphore_mem>>) attributes {dimension_semantics = [#tpu.dimension_semantics<core_parallel>, #tpu.dimension_semantics<subcore_parallel>], iteration_bounds = array<i64: 2, 16>, scalar_prefetch = 0 : i64, scratch_operands = 4 : i64, tpu.core_type = #tpu.core_type<sc_vector_subcore>, window_params = [{transform_indices = #map}, {transform_indices = #map}, {transform_indices = #map}]} {
    %mul3A = arith.constant 2 : i32
    %mul3A_0 = arith.muli %arg1, %mul3A : i32
    %add3A = arith.addi %mul3A_0, %arg0 : i32
    %mul3A_1 = arith.constant 128 : i32
    %mul3A_2 = arith.muli %add3A, %mul3A_1 : i32
    "tpu.region"() ({
      %run_scoped3A = tpu.sem_alloc : memref<!tpu.dma_semaphore, #tpu.memory_space<semaphore_mem>>
      %dma_start3A = arith.constant 0 : i32
      %dma_start3A_8 = tpu.memref_slice %arg3[%mul3A_2, %dma_start3A] : memref<4096x128xi32, #tpu.memory_space<hbm>> -> memref<128x128xi32, #tpu.memory_space<hbm>>
      %dma_start3A_9 = arith.constant 0 : i32
      %dma_start3A_10 = tpu.memref_slice %arg3[%mul3A_2, %dma_start3A_9] : memref<4096x128xi32, #tpu.memory_space<hbm>> -> memref<128x128xi32, #tpu.memory_space<hbm>>
      tpu.enqueue_dma source(%dma_start3A_10 : memref<128x128xi32, #tpu.memory_space<hbm>>) target(%arg5 : memref<128x128xi32, #tpu.memory_space<vmem>>) target_semaphore(%run_scoped3A : memref<!tpu.dma_semaphore, #tpu.memory_space<semaphore_mem>>)
      %dma_wait3A = arith.constant 0 : i32
      %dma_wait3A_11 = tpu.memref_slice %arg3[%mul3A_2, %dma_wait3A] : memref<4096x128xi32, #tpu.memory_space<hbm>> -> memref<128x128xi32, #tpu.memory_space<hbm>>
      %dma_wait3A_12 = arith.constant 0 : i32
      %dma_wait3A_13 = tpu.memref_slice %arg3[%mul3A_2, %dma_wait3A_12] : memref<4096x128xi32, #tpu.memory_space<hbm>> -> memref<128x128xi32, #tpu.memory_space<hbm>>
      tpu.wait_dma2 semaphore(%run_scoped3A : memref<!tpu.dma_semaphore, #tpu.memory_space<semaphore_mem>>) src(%dma_wait3A_13 : memref<128x128xi32, #tpu.memory_space<hbm>>) dst(%arg5 : memref<128x128xi32, #tpu.memory_space<vmem>>)
      tpu.yield
    }) : () -> ()
    %scan3A = arith.constant 0 : i32
    %scan3A_3 = arith.constant 0 : i32
    %scan3A_4 = arith.constant 16 : i32
    %scan3A_5 = arith.addi %scan3A_3, %scan3A_4 : i32
    %scan3A_6 = arith.constant 1 : i32
    scf.for %scan3A_8 = %scan3A_3 to %scan3A_5 step %scan3A_6  : i32 {
      %mul3A_9 = arith.constant 8 : i32
      %mul3A_10 = arith.muli %scan3A_8, %mul3A_9 : i32
      %add3A_11 = arith.constant 0 : i32
      %add3A_12 = arith.addi %mul3A_10, %add3A_11 : i32
      %dma_start3A = arith.constant 0 : i32
      %dma_start3A_13 = arith.constant 0 : i32
      %dma_start3A_14 = tpu.memref_slice %arg6[%dma_start3A, %dma_start3A_13] : memref<1024x16xf32, #tpu.memory_space<vmem>> -> memref<128x16xf32, #tpu.memory_space<vmem>>
      %dma_start3A_15 = arith.constant 0 : i32
      %dma_start3A_16 = tpu.memref_slice %arg5[%add3A_12, %dma_start3A_15] : memref<128x128xi32, #tpu.memory_space<vmem>> -> memref<1x128xi32, #tpu.memory_space<vmem>>
      %dma_start3A_17 = tpu.memref_squeeze %dma_start3A_16 : memref<1x128xi32, #tpu.memory_space<vmem>> -> memref<128xi32, #tpu.memory_space<vmem>>
      %dma_start3A_18 = arith.constant 0 : i32
      %dma_start3A_19 = arith.constant 0 : i32
      %dma_start3A_20 = tpu.memref_slice %arg2[%dma_start3A_18, %dma_start3A_19] : memref<2600000x16xf32, #tpu.memory_space<hbm>> -> memref<2600000x16xf32, #tpu.memory_space<hbm>>
      tpu.enqueue_indirect_dma source(%dma_start3A_20 : memref<2600000x16xf32, #tpu.memory_space<hbm>>) target(%dma_start3A_14 : memref<128x16xf32, #tpu.memory_space<vmem>>) offsets(%dma_start3A_17 : memref<128xi32, #tpu.memory_space<vmem>>) semaphore(%arg8 : memref<!tpu.dma_semaphore, #tpu.memory_space<semaphore_mem>>)
      %mul3A_21 = arith.constant 8 : i32
      %mul3A_22 = arith.muli %scan3A_8, %mul3A_21 : i32
      %add3A_23 = arith.constant 1 : i32
      %add3A_24 = arith.addi %mul3A_22, %add3A_23 : i32
      %dma_start3A_25 = arith.constant 128 : i32
      %dma_start3A_26 = arith.constant 0 : i32
      %dma_start3A_27 = tpu.memref_slice %arg6[%dma_start3A_25, %dma_start3A_26] : memref<1024x16xf32, #tpu.memory_space<vmem>> -> memref<128x16xf32, #tpu.memory_space<vmem>>
      %dma_start3A_28 = arith.constant 0 : i32
      %dma_start3A_29 = tpu.memref_slice %arg5[%add3A_24, %dma_start3A_28] : memref<128x128xi32, #tpu.memory_space<vmem>> -> memref<1x128xi32, #tpu.memory_space<vmem>>
      %dma_start3A_30 = tpu.memref_squeeze %dma_start3A_29 : memref<1x128xi32, #tpu.memory_space<vmem>> -> memref<128xi32, #tpu.memory_space<vmem>>
      %dma_start3A_31 = arith.constant 0 : i32
      %dma_start3A_32 = arith.constant 0 : i32
      %dma_start3A_33 = tpu.memref_slice %arg2[%dma_start3A_31, %dma_start3A_32] : memref<2600000x16xf32, #tpu.memory_space<hbm>> -> memref<2600000x16xf32, #tpu.memory_space<hbm>>
      tpu.enqueue_indirect_dma source(%dma_start3A_33 : memref<2600000x16xf32, #tpu.memory_space<hbm>>) target(%dma_start3A_27 : memref<128x16xf32, #tpu.memory_space<vmem>>) offsets(%dma_start3A_30 : memref<128xi32, #tpu.memory_space<vmem>>) semaphore(%arg8 : memref<!tpu.dma_semaphore, #tpu.memory_space<semaphore_mem>>)
      %mul3A_34 = arith.constant 8 : i32
      %mul3A_35 = arith.muli %scan3A_8, %mul3A_34 : i32
      %add3A_36 = arith.constant 2 : i32
      %add3A_37 = arith.addi %mul3A_35, %add3A_36 : i32
      %dma_start3A_38 = arith.constant 256 : i32
      %dma_start3A_39 = arith.constant 0 : i32
      %dma_start3A_40 = tpu.memref_slice %arg6[%dma_start3A_38, %dma_start3A_39] : memref<1024x16xf32, #tpu.memory_space<vmem>> -> memref<128x16xf32, #tpu.memory_space<vmem>>
      %dma_start3A_41 = arith.constant 0 : i32
      %dma_start3A_42 = tpu.memref_slice %arg5[%add3A_37, %dma_start3A_41] : memref<128x128xi32, #tpu.memory_space<vmem>> -> memref<1x128xi32, #tpu.memory_space<vmem>>
      %dma_start3A_43 = tpu.memref_squeeze %dma_start3A_42 : memref<1x128xi32, #tpu.memory_space<vmem>> -> memref<128xi32, #tpu.memory_space<vmem>>
      %dma_start3A_44 = arith.constant 0 : i32
      %dma_start3A_45 = arith.constant 0 : i32
      %dma_start3A_46 = tpu.memref_slice %arg2[%dma_start3A_44, %dma_start3A_45] : memref<2600000x16xf32, #tpu.memory_space<hbm>> -> memref<2600000x16xf32, #tpu.memory_space<hbm>>
      tpu.enqueue_indirect_dma source(%dma_start3A_46 : memref<2600000x16xf32, #tpu.memory_space<hbm>>) target(%dma_start3A_40 : memref<128x16xf32, #tpu.memory_space<vmem>>) offsets(%dma_start3A_43 : memref<128xi32, #tpu.memory_space<vmem>>) semaphore(%arg8 : memref<!tpu.dma_semaphore, #tpu.memory_space<semaphore_mem>>)
      %mul3A_47 = arith.constant 8 : i32
      %mul3A_48 = arith.muli %scan3A_8, %mul3A_47 : i32
      %add3A_49 = arith.constant 3 : i32
      %add3A_50 = arith.addi %mul3A_48, %add3A_49 : i32
      %dma_start3A_51 = arith.constant 384 : i32
      %dma_start3A_52 = arith.constant 0 : i32
      %dma_start3A_53 = tpu.memref_slice %arg6[%dma_start3A_51, %dma_start3A_52] : memref<1024x16xf32, #tpu.memory_space<vmem>> -> memref<128x16xf32, #tpu.memory_space<vmem>>
      %dma_start3A_54 = arith.constant 0 : i32
      %dma_start3A_55 = tpu.memref_slice %arg5[%add3A_50, %dma_start3A_54] : memref<128x128xi32, #tpu.memory_space<vmem>> -> memref<1x128xi32, #tpu.memory_space<vmem>>
      %dma_start3A_56 = tpu.memref_squeeze %dma_start3A_55 : memref<1x128xi32, #tpu.memory_space<vmem>> -> memref<128xi32, #tpu.memory_space<vmem>>
      %dma_start3A_57 = arith.constant 0 : i32
      %dma_start3A_58 = arith.constant 0 : i32
      %dma_start3A_59 = tpu.memref_slice %arg2[%dma_start3A_57, %dma_start3A_58] : memref<2600000x16xf32, #tpu.memory_space<hbm>> -> memref<2600000x16xf32, #tpu.memory_space<hbm>>
      tpu.enqueue_indirect_dma source(%dma_start3A_59 : memref<2600000x16xf32, #tpu.memory_space<hbm>>) target(%dma_start3A_53 : memref<128x16xf32, #tpu.memory_space<vmem>>) offsets(%dma_start3A_56 : memref<128xi32, #tpu.memory_space<vmem>>) semaphore(%arg8 : memref<!tpu.dma_semaphore, #tpu.memory_space<semaphore_mem>>)
      %mul3A_60 = arith.constant 8 : i32
      %mul3A_61 = arith.muli %scan3A_8, %mul3A_60 : i32
      %add3A_62 = arith.constant 4 : i32
      %add3A_63 = arith.addi %mul3A_61, %add3A_62 : i32
      %dma_start3A_64 = arith.constant 512 : i32
      %dma_start3A_65 = arith.constant 0 : i32
      %dma_start3A_66 = tpu.memref_slice %arg6[%dma_start3A_64, %dma_start3A_65] : memref<1024x16xf32, #tpu.memory_space<vmem>> -> memref<128x16xf32, #tpu.memory_space<vmem>>
      %dma_start3A_67 = arith.constant 0 : i32
      %dma_start3A_68 = tpu.memref_slice %arg5[%add3A_63, %dma_start3A_67] : memref<128x128xi32, #tpu.memory_space<vmem>> -> memref<1x128xi32, #tpu.memory_space<vmem>>
      %dma_start3A_69 = tpu.memref_squeeze %dma_start3A_68 : memref<1x128xi32, #tpu.memory_space<vmem>> -> memref<128xi32, #tpu.memory_space<vmem>>
      %dma_start3A_70 = arith.constant 0 : i32
      %dma_start3A_71 = arith.constant 0 : i32
      %dma_start3A_72 = tpu.memref_slice %arg2[%dma_start3A_70, %dma_start3A_71] : memref<2600000x16xf32, #tpu.memory_space<hbm>> -> memref<2600000x16xf32, #tpu.memory_space<hbm>>
      tpu.enqueue_indirect_dma source(%dma_start3A_72 : memref<2600000x16xf32, #tpu.memory_space<hbm>>) target(%dma_start3A_66 : memref<128x16xf32, #tpu.memory_space<vmem>>) offsets(%dma_start3A_69 : memref<128xi32, #tpu.memory_space<vmem>>) semaphore(%arg8 : memref<!tpu.dma_semaphore, #tpu.memory_space<semaphore_mem>>)
      %mul3A_73 = arith.constant 8 : i32
      %mul3A_74 = arith.muli %scan3A_8, %mul3A_73 : i32
      %add3A_75 = arith.constant 5 : i32
      %add3A_76 = arith.addi %mul3A_74, %add3A_75 : i32
      %dma_start3A_77 = arith.constant 640 : i32
      %dma_start3A_78 = arith.constant 0 : i32
      %dma_start3A_79 = tpu.memref_slice %arg6[%dma_start3A_77, %dma_start3A_78] : memref<1024x16xf32, #tpu.memory_space<vmem>> -> memref<128x16xf32, #tpu.memory_space<vmem>>
      %dma_start3A_80 = arith.constant 0 : i32
      %dma_start3A_81 = tpu.memref_slice %arg5[%add3A_76, %dma_start3A_80] : memref<128x128xi32, #tpu.memory_space<vmem>> -> memref<1x128xi32, #tpu.memory_space<vmem>>
      %dma_start3A_82 = tpu.memref_squeeze %dma_start3A_81 : memref<1x128xi32, #tpu.memory_space<vmem>> -> memref<128xi32, #tpu.memory_space<vmem>>
      %dma_start3A_83 = arith.constant 0 : i32
      %dma_start3A_84 = arith.constant 0 : i32
      %dma_start3A_85 = tpu.memref_slice %arg2[%dma_start3A_83, %dma_start3A_84] : memref<2600000x16xf32, #tpu.memory_space<hbm>> -> memref<2600000x16xf32, #tpu.memory_space<hbm>>
      tpu.enqueue_indirect_dma source(%dma_start3A_85 : memref<2600000x16xf32, #tpu.memory_space<hbm>>) target(%dma_start3A_79 : memref<128x16xf32, #tpu.memory_space<vmem>>) offsets(%dma_start3A_82 : memref<128xi32, #tpu.memory_space<vmem>>) semaphore(%arg8 : memref<!tpu.dma_semaphore, #tpu.memory_space<semaphore_mem>>)
      %mul3A_86 = arith.constant 8 : i32
      %mul3A_87 = arith.muli %scan3A_8, %mul3A_86 : i32
      %add3A_88 = arith.constant 6 : i32
      %add3A_89 = arith.addi %mul3A_87, %add3A_88 : i32
      %dma_start3A_90 = arith.constant 768 : i32
      %dma_start3A_91 = arith.constant 0 : i32
      %dma_start3A_92 = tpu.memref_slice %arg6[%dma_start3A_90, %dma_start3A_91] : memref<1024x16xf32, #tpu.memory_space<vmem>> -> memref<128x16xf32, #tpu.memory_space<vmem>>
      %dma_start3A_93 = arith.constant 0 : i32
      %dma_start3A_94 = tpu.memref_slice %arg5[%add3A_89, %dma_start3A_93] : memref<128x128xi32, #tpu.memory_space<vmem>> -> memref<1x128xi32, #tpu.memory_space<vmem>>
      %dma_start3A_95 = tpu.memref_squeeze %dma_start3A_94 : memref<1x128xi32, #tpu.memory_space<vmem>> -> memref<128xi32, #tpu.memory_space<vmem>>
      %dma_start3A_96 = arith.constant 0 : i32
      %dma_start3A_97 = arith.constant 0 : i32
      %dma_start3A_98 = tpu.memref_slice %arg2[%dma_start3A_96, %dma_start3A_97] : memref<2600000x16xf32, #tpu.memory_space<hbm>> -> memref<2600000x16xf32, #tpu.memory_space<hbm>>
      tpu.enqueue_indirect_dma source(%dma_start3A_98 : memref<2600000x16xf32, #tpu.memory_space<hbm>>) target(%dma_start3A_92 : memref<128x16xf32, #tpu.memory_space<vmem>>) offsets(%dma_start3A_95 : memref<128xi32, #tpu.memory_space<vmem>>) semaphore(%arg8 : memref<!tpu.dma_semaphore, #tpu.memory_space<semaphore_mem>>)
      %mul3A_99 = arith.constant 8 : i32
      %mul3A_100 = arith.muli %scan3A_8, %mul3A_99 : i32
      %add3A_101 = arith.constant 7 : i32
      %add3A_102 = arith.addi %mul3A_100, %add3A_101 : i32
      %dma_start3A_103 = arith.constant 896 : i32
      %dma_start3A_104 = arith.constant 0 : i32
      %dma_start3A_105 = tpu.memref_slice %arg6[%dma_start3A_103, %dma_start3A_104] : memref<1024x16xf32, #tpu.memory_space<vmem>> -> memref<128x16xf32, #tpu.memory_space<vmem>>
      %dma_start3A_106 = arith.constant 0 : i32
      %dma_start3A_107 = tpu.memref_slice %arg5[%add3A_102, %dma_start3A_106] : memref<128x128xi32, #tpu.memory_space<vmem>> -> memref<1x128xi32, #tpu.memory_space<vmem>>
      %dma_start3A_108 = tpu.memref_squeeze %dma_start3A_107 : memref<1x128xi32, #tpu.memory_space<vmem>> -> memref<128xi32, #tpu.memory_space<vmem>>
      %dma_start3A_109 = arith.constant 0 : i32
      %dma_start3A_110 = arith.constant 0 : i32
      %dma_start3A_111 = tpu.memref_slice %arg2[%dma_start3A_109, %dma_start3A_110] : memref<2600000x16xf32, #tpu.memory_space<hbm>> -> memref<2600000x16xf32, #tpu.memory_space<hbm>>
      tpu.enqueue_indirect_dma source(%dma_start3A_111 : memref<2600000x16xf32, #tpu.memory_space<hbm>>) target(%dma_start3A_105 : memref<128x16xf32, #tpu.memory_space<vmem>>) offsets(%dma_start3A_108 : memref<128xi32, #tpu.memory_space<vmem>>) semaphore(%arg8 : memref<!tpu.dma_semaphore, #tpu.memory_space<semaphore_mem>>)
      %dma_wait3A = arith.constant 0 : i32
      %dma_wait3A_112 = arith.constant 0 : i32
      %dma_wait3A_113 = tpu.memref_slice %arg6[%dma_wait3A, %dma_wait3A_112] : memref<1024x16xf32, #tpu.memory_space<vmem>> -> memref<128x16xf32, #tpu.memory_space<vmem>>
      %dma_wait3A_114 = arith.constant 0 : i32
      %dma_wait3A_115 = tpu.memref_slice %arg5[%add3A_12, %dma_wait3A_114] : memref<128x128xi32, #tpu.memory_space<vmem>> -> memref<1x128xi32, #tpu.memory_space<vmem>>
      %dma_wait3A_116 = tpu.memref_squeeze %dma_wait3A_115 : memref<1x128xi32, #tpu.memory_space<vmem>> -> memref<128xi32, #tpu.memory_space<vmem>>
      %dma_wait3A_117 = arith.constant 0 : i32
      %dma_wait3A_118 = arith.constant 0 : i32
      %dma_wait3A_119 = tpu.memref_slice %arg2[%dma_wait3A_117, %dma_wait3A_118] : memref<2600000x16xf32, #tpu.memory_space<hbm>> -> memref<2600000x16xf32, #tpu.memory_space<hbm>>
      tpu.wait_indirect_dma semaphore(%arg8 : memref<!tpu.dma_semaphore, #tpu.memory_space<semaphore_mem>>) src(%dma_wait3A_119 : memref<2600000x16xf32, #tpu.memory_space<hbm>>) dst(%dma_wait3A_113 : memref<128x16xf32, #tpu.memory_space<vmem>>)
      %dma_wait3A_120 = arith.constant 128 : i32
      %dma_wait3A_121 = arith.constant 0 : i32
      %dma_wait3A_122 = tpu.memref_slice %arg6[%dma_wait3A_120, %dma_wait3A_121] : memref<1024x16xf32, #tpu.memory_space<vmem>> -> memref<128x16xf32, #tpu.memory_space<vmem>>
      %dma_wait3A_123 = arith.constant 0 : i32
      %dma_wait3A_124 = tpu.memref_slice %arg5[%add3A_24, %dma_wait3A_123] : memref<128x128xi32, #tpu.memory_space<vmem>> -> memref<1x128xi32, #tpu.memory_space<vmem>>
      %dma_wait3A_125 = tpu.memref_squeeze %dma_wait3A_124 : memref<1x128xi32, #tpu.memory_space<vmem>> -> memref<128xi32, #tpu.memory_space<vmem>>
      %dma_wait3A_126 = arith.constant 0 : i32
      %dma_wait3A_127 = arith.constant 0 : i32
      %dma_wait3A_128 = tpu.memref_slice %arg2[%dma_wait3A_126, %dma_wait3A_127] : memref<2600000x16xf32, #tpu.memory_space<hbm>> -> memref<2600000x16xf32, #tpu.memory_space<hbm>>
      tpu.wait_indirect_dma semaphore(%arg8 : memref<!tpu.dma_semaphore, #tpu.memory_space<semaphore_mem>>) src(%dma_wait3A_128 : memref<2600000x16xf32, #tpu.memory_space<hbm>>) dst(%dma_wait3A_122 : memref<128x16xf32, #tpu.memory_space<vmem>>)
      %dma_wait3A_129 = arith.constant 256 : i32
      %dma_wait3A_130 = arith.constant 0 : i32
      %dma_wait3A_131 = tpu.memref_slice %arg6[%dma_wait3A_129, %dma_wait3A_130] : memref<1024x16xf32, #tpu.memory_space<vmem>> -> memref<128x16xf32, #tpu.memory_space<vmem>>
      %dma_wait3A_132 = arith.constant 0 : i32
      %dma_wait3A_133 = tpu.memref_slice %arg5[%add3A_37, %dma_wait3A_132] : memref<128x128xi32, #tpu.memory_space<vmem>> -> memref<1x128xi32, #tpu.memory_space<vmem>>
      %dma_wait3A_134 = tpu.memref_squeeze %dma_wait3A_133 : memref<1x128xi32, #tpu.memory_space<vmem>> -> memref<128xi32, #tpu.memory_space<vmem>>
      %dma_wait3A_135 = arith.constant 0 : i32
      %dma_wait3A_136 = arith.constant 0 : i32
      %dma_wait3A_137 = tpu.memref_slice %arg2[%dma_wait3A_135, %dma_wait3A_136] : memref<2600000x16xf32, #tpu.memory_space<hbm>> -> memref<2600000x16xf32, #tpu.memory_space<hbm>>
      tpu.wait_indirect_dma semaphore(%arg8 : memref<!tpu.dma_semaphore, #tpu.memory_space<semaphore_mem>>) src(%dma_wait3A_137 : memref<2600000x16xf32, #tpu.memory_space<hbm>>) dst(%dma_wait3A_131 : memref<128x16xf32, #tpu.memory_space<vmem>>)
      %dma_wait3A_138 = arith.constant 384 : i32
      %dma_wait3A_139 = arith.constant 0 : i32
      %dma_wait3A_140 = tpu.memref_slice %arg6[%dma_wait3A_138, %dma_wait3A_139] : memref<1024x16xf32, #tpu.memory_space<vmem>> -> memref<128x16xf32, #tpu.memory_space<vmem>>
      %dma_wait3A_141 = arith.constant 0 : i32
      %dma_wait3A_142 = tpu.memref_slice %arg5[%add3A_50, %dma_wait3A_141] : memref<128x128xi32, #tpu.memory_space<vmem>> -> memref<1x128xi32, #tpu.memory_space<vmem>>
      %dma_wait3A_143 = tpu.memref_squeeze %dma_wait3A_142 : memref<1x128xi32, #tpu.memory_space<vmem>> -> memref<128xi32, #tpu.memory_space<vmem>>
      %dma_wait3A_144 = arith.constant 0 : i32
      %dma_wait3A_145 = arith.constant 0 : i32
      %dma_wait3A_146 = tpu.memref_slice %arg2[%dma_wait3A_144, %dma_wait3A_145] : memref<2600000x16xf32, #tpu.memory_space<hbm>> -> memref<2600000x16xf32, #tpu.memory_space<hbm>>
      tpu.wait_indirect_dma semaphore(%arg8 : memref<!tpu.dma_semaphore, #tpu.memory_space<semaphore_mem>>) src(%dma_wait3A_146 : memref<2600000x16xf32, #tpu.memory_space<hbm>>) dst(%dma_wait3A_140 : memref<128x16xf32, #tpu.memory_space<vmem>>)
      %dma_wait3A_147 = arith.constant 512 : i32
      %dma_wait3A_148 = arith.constant 0 : i32
      %dma_wait3A_149 = tpu.memref_slice %arg6[%dma_wait3A_147, %dma_wait3A_148] : memref<1024x16xf32, #tpu.memory_space<vmem>> -> memref<128x16xf32, #tpu.memory_space<vmem>>
      %dma_wait3A_150 = arith.constant 0 : i32
      %dma_wait3A_151 = tpu.memref_slice %arg5[%add3A_63, %dma_wait3A_150] : memref<128x128xi32, #tpu.memory_space<vmem>> -> memref<1x128xi32, #tpu.memory_space<vmem>>
      %dma_wait3A_152 = tpu.memref_squeeze %dma_wait3A_151 : memref<1x128xi32, #tpu.memory_space<vmem>> -> memref<128xi32, #tpu.memory_space<vmem>>
      %dma_wait3A_153 = arith.constant 0 : i32
      %dma_wait3A_154 = arith.constant 0 : i32
      %dma_wait3A_155 = tpu.memref_slice %arg2[%dma_wait3A_153, %dma_wait3A_154] : memref<2600000x16xf32, #tpu.memory_space<hbm>> -> memref<2600000x16xf32, #tpu.memory_space<hbm>>
      tpu.wait_indirect_dma semaphore(%arg8 : memref<!tpu.dma_semaphore, #tpu.memory_space<semaphore_mem>>) src(%dma_wait3A_155 : memref<2600000x16xf32, #tpu.memory_space<hbm>>) dst(%dma_wait3A_149 : memref<128x16xf32, #tpu.memory_space<vmem>>)
      %dma_wait3A_156 = arith.constant 640 : i32
      %dma_wait3A_157 = arith.constant 0 : i32
      %dma_wait3A_158 = tpu.memref_slice %arg6[%dma_wait3A_156, %dma_wait3A_157] : memref<1024x16xf32, #tpu.memory_space<vmem>> -> memref<128x16xf32, #tpu.memory_space<vmem>>
      %dma_wait3A_159 = arith.constant 0 : i32
      %dma_wait3A_160 = tpu.memref_slice %arg5[%add3A_76, %dma_wait3A_159] : memref<128x128xi32, #tpu.memory_space<vmem>> -> memref<1x128xi32, #tpu.memory_space<vmem>>
      %dma_wait3A_161 = tpu.memref_squeeze %dma_wait3A_160 : memref<1x128xi32, #tpu.memory_space<vmem>> -> memref<128xi32, #tpu.memory_space<vmem>>
      %dma_wait3A_162 = arith.constant 0 : i32
      %dma_wait3A_163 = arith.constant 0 : i32
      %dma_wait3A_164 = tpu.memref_slice %arg2[%dma_wait3A_162, %dma_wait3A_163] : memref<2600000x16xf32, #tpu.memory_space<hbm>> -> memref<2600000x16xf32, #tpu.memory_space<hbm>>
      tpu.wait_indirect_dma semaphore(%arg8 : memref<!tpu.dma_semaphore, #tpu.memory_space<semaphore_mem>>) src(%dma_wait3A_164 : memref<2600000x16xf32, #tpu.memory_space<hbm>>) dst(%dma_wait3A_158 : memref<128x16xf32, #tpu.memory_space<vmem>>)
      %dma_wait3A_165 = arith.constant 768 : i32
      %dma_wait3A_166 = arith.constant 0 : i32
      %dma_wait3A_167 = tpu.memref_slice %arg6[%dma_wait3A_165, %dma_wait3A_166] : memref<1024x16xf32, #tpu.memory_space<vmem>> -> memref<128x16xf32, #tpu.memory_space<vmem>>
      %dma_wait3A_168 = arith.constant 0 : i32
      %dma_wait3A_169 = tpu.memref_slice %arg5[%add3A_89, %dma_wait3A_168] : memref<128x128xi32, #tpu.memory_space<vmem>> -> memref<1x128xi32, #tpu.memory_space<vmem>>
      %dma_wait3A_170 = tpu.memref_squeeze %dma_wait3A_169 : memref<1x128xi32, #tpu.memory_space<vmem>> -> memref<128xi32, #tpu.memory_space<vmem>>
      %dma_wait3A_171 = arith.constant 0 : i32
      %dma_wait3A_172 = arith.constant 0 : i32
      %dma_wait3A_173 = tpu.memref_slice %arg2[%dma_wait3A_171, %dma_wait3A_172] : memref<2600000x16xf32, #tpu.memory_space<hbm>> -> memref<2600000x16xf32, #tpu.memory_space<hbm>>
      tpu.wait_indirect_dma semaphore(%arg8 : memref<!tpu.dma_semaphore, #tpu.memory_space<semaphore_mem>>) src(%dma_wait3A_173 : memref<2600000x16xf32, #tpu.memory_space<hbm>>) dst(%dma_wait3A_167 : memref<128x16xf32, #tpu.memory_space<vmem>>)
      %dma_wait3A_174 = arith.constant 896 : i32
      %dma_wait3A_175 = arith.constant 0 : i32
      %dma_wait3A_176 = tpu.memref_slice %arg6[%dma_wait3A_174, %dma_wait3A_175] : memref<1024x16xf32, #tpu.memory_space<vmem>> -> memref<128x16xf32, #tpu.memory_space<vmem>>
      %dma_wait3A_177 = arith.constant 0 : i32
      %dma_wait3A_178 = tpu.memref_slice %arg5[%add3A_102, %dma_wait3A_177] : memref<128x128xi32, #tpu.memory_space<vmem>> -> memref<1x128xi32, #tpu.memory_space<vmem>>
      %dma_wait3A_179 = tpu.memref_squeeze %dma_wait3A_178 : memref<1x128xi32, #tpu.memory_space<vmem>> -> memref<128xi32, #tpu.memory_space<vmem>>
      %dma_wait3A_180 = arith.constant 0 : i32
      %dma_wait3A_181 = arith.constant 0 : i32
      %dma_wait3A_182 = tpu.memref_slice %arg2[%dma_wait3A_180, %dma_wait3A_181] : memref<2600000x16xf32, #tpu.memory_space<hbm>> -> memref<2600000x16xf32, #tpu.memory_space<hbm>>
      tpu.wait_indirect_dma semaphore(%arg8 : memref<!tpu.dma_semaphore, #tpu.memory_space<semaphore_mem>>) src(%dma_wait3A_182 : memref<2600000x16xf32, #tpu.memory_space<hbm>>) dst(%dma_wait3A_176 : memref<128x16xf32, #tpu.memory_space<vmem>>)
      %scan3A_183 = arith.constant 0 : i32
      %scan3A_184 = arith.constant 0 : i32
      %scan3A_185 = arith.constant 32 : i32
      %scan3A_186 = arith.addi %scan3A_184, %scan3A_185 : i32
      %scan3A_187 = arith.constant 1 : i32
      scf.for %scan3A_217 = %scan3A_184 to %scan3A_186 step %scan3A_187  : i32 {
        %mul3A_218 = arith.constant 32 : i32
        %mul3A_219 = arith.muli %scan3A_217, %mul3A_218 : i32
        %add3A_220 = arith.constant 0 : i32
        %add3A_221 = arith.addi %mul3A_219, %add3A_220 : i32
        %get3A = arith.index_cast %add3A_221 : i32 to index
        %get3A_222 = arith.constant 0 : index
        %get3A_223 = tpu.vector_load %arg6[%get3A, %get3A_222] {strides = array<i32>} : memref<1024x16xf32, #tpu.memory_space<vmem>>, vector<1x16xf32>,
        %get3A_224 = vector.shape_cast %get3A_223 : vector<1x16xf32> to vector<16xf32>
        %add3A_225 = arith.constant 0 : i32
        %add3A_226 = arith.addi %add3A_225, %scan3A_217 : i32
        %swap3A = arith.index_cast %add3A_226 : i32 to index
        %swap3A_227 = arith.constant 0 : index
        %swap3A_228 = tpu.vector_load %arg7[%swap3A, %swap3A_227] {strides = array<i32>} : memref<128x128xf32, #tpu.memory_space<vmem>>, vector<1x16xf32>,
        %swap3A_229 = vector.shape_cast %swap3A_228 : vector<1x16xf32> to vector<16xf32>
        %swap3A_230 = vector.shape_cast %get3A_224 : vector<16xf32> to vector<1x16xf32>
        tpu.vector_store %arg7[%swap3A, %swap3A_227], %swap3A_230 {strides = array<i32>} : memref<128x128xf32, #tpu.memory_space<vmem>>, vector<1x16xf32>,
        %add3A_231 = arith.constant 1 : i32
        %add3A_232 = arith.addi %mul3A_219, %add3A_231 : i32
        %get3A_233 = arith.index_cast %add3A_232 : i32 to index
        %get3A_234 = arith.constant 0 : index
        %get3A_235 = tpu.vector_load %arg6[%get3A_233, %get3A_234] {strides = array<i32>} : memref<1024x16xf32, #tpu.memory_space<vmem>>, vector<1x16xf32>,
        %get3A_236 = vector.shape_cast %get3A_235 : vector<1x16xf32> to vector<16xf32>
        %add3A_237 = arith.constant 0 : i32
        %add3A_238 = arith.addi %add3A_237, %scan3A_217 : i32
        %swap3A_239 = arith.index_cast %add3A_238 : i32 to index
        %swap3A_240 = arith.constant 16 : index
        %swap3A_241 = tpu.vector_load %arg7[%swap3A_239, %swap3A_240] {strides = array<i32>} : memref<128x128xf32, #tpu.memory_space<vmem>>, vector<1x16xf32>,
        %swap3A_242 = vector.shape_cast %swap3A_241 : vector<1x16xf32> to vector<16xf32>
        %swap3A_243 = vector.shape_cast %get3A_236 : vector<16xf32> to vector<1x16xf32>
        tpu.vector_store %arg7[%swap3A_239, %swap3A_240], %swap3A_243 {strides = array<i32>} : memref<128x128xf32, #tpu.memory_space<vmem>>, vector<1x16xf32>,
        %add3A_244 = arith.constant 2 : i32
        %add3A_245 = arith.addi %mul3A_219, %add3A_244 : i32
        %get3A_246 = arith.index_cast %add3A_245 : i32 to index
        %get3A_247 = arith.constant 0 : index
        %get3A_248 = tpu.vector_load %arg6[%get3A_246, %get3A_247] {strides = array<i32>} : memref<1024x16xf32, #tpu.memory_space<vmem>>, vector<1x16xf32>,
        %get3A_249 = vector.shape_cast %get3A_248 : vector<1x16xf32> to vector<16xf32>
        %add3A_250 = arith.constant 0 : i32
        %add3A_251 = arith.addi %add3A_250, %scan3A_217 : i32
        %swap3A_252 = arith.index_cast %add3A_251 : i32 to index
        %swap3A_253 = arith.constant 32 : index
        %swap3A_254 = tpu.vector_load %arg7[%swap3A_252, %swap3A_253] {strides = array<i32>} : memref<128x128xf32, #tpu.memory_space<vmem>>, vector<1x16xf32>,
        %swap3A_255 = vector.shape_cast %swap3A_254 : vector<1x16xf32> to vector<16xf32>
        %swap3A_256 = vector.shape_cast %get3A_249 : vector<16xf32> to vector<1x16xf32>
        tpu.vector_store %arg7[%swap3A_252, %swap3A_253], %swap3A_256 {strides = array<i32>} : memref<128x128xf32, #tpu.memory_space<vmem>>, vector<1x16xf32>,
        %add3A_257 = arith.constant 3 : i32
        %add3A_258 = arith.addi %mul3A_219, %add3A_257 : i32
        %get3A_259 = arith.index_cast %add3A_258 : i32 to index
        %get3A_260 = arith.constant 0 : index
        %get3A_261 = tpu.vector_load %arg6[%get3A_259, %get3A_260] {strides = array<i32>} : memref<1024x16xf32, #tpu.memory_space<vmem>>, vector<1x16xf32>,
        %get3A_262 = vector.shape_cast %get3A_261 : vector<1x16xf32> to vector<16xf32>
        %add3A_263 = arith.constant 0 : i32
        %add3A_264 = arith.addi %add3A_263, %scan3A_217 : i32
        %swap3A_265 = arith.index_cast %add3A_264 : i32 to index
        %swap3A_266 = arith.constant 48 : index
        %swap3A_267 = tpu.vector_load %arg7[%swap3A_265, %swap3A_266] {strides = array<i32>} : memref<128x128xf32, #tpu.memory_space<vmem>>, vector<1x16xf32>,
        %swap3A_268 = vector.shape_cast %swap3A_267 : vector<1x16xf32> to vector<16xf32>
        %swap3A_269 = vector.shape_cast %get3A_262 : vector<16xf32> to vector<1x16xf32>
        tpu.vector_store %arg7[%swap3A_265, %swap3A_266], %swap3A_269 {strides = array<i32>} : memref<128x128xf32, #tpu.memory_space<vmem>>, vector<1x16xf32>,
        %add3A_270 = arith.constant 4 : i32
        %add3A_271 = arith.addi %mul3A_219, %add3A_270 : i32
        %get3A_272 = arith.index_cast %add3A_271 : i32 to index
        %get3A_273 = arith.constant 0 : index
        %get3A_274 = tpu.vector_load %arg6[%get3A_272, %get3A_273] {strides = array<i32>} : memref<1024x16xf32, #tpu.memory_space<vmem>>, vector<1x16xf32>,
        %get3A_275 = vector.shape_cast %get3A_274 : vector<1x16xf32> to vector<16xf32>
        %add3A_276 = arith.constant 0 : i32
        %add3A_277 = arith.addi %add3A_276, %scan3A_217 : i32
        %swap3A_278 = arith.index_cast %add3A_277 : i32 to index
        %swap3A_279 = arith.constant 64 : index
        %swap3A_280 = tpu.vector_load %arg7[%swap3A_278, %swap3A_279] {strides = array<i32>} : memref<128x128xf32, #tpu.memory_space<vmem>>, vector<1x16xf32>,
        %swap3A_281 = vector.shape_cast %swap3A_280 : vector<1x16xf32> to vector<16xf32>
        %swap3A_282 = vector.shape_cast %get3A_275 : vector<16xf32> to vector<1x16xf32>
        tpu.vector_store %arg7[%swap3A_278, %swap3A_279], %swap3A_282 {strides = array<i32>} : memref<128x128xf32, #tpu.memory_space<vmem>>, vector<1x16xf32>,
        %add3A_283 = arith.constant 5 : i32
        %add3A_284 = arith.addi %mul3A_219, %add3A_283 : i32
        %get3A_285 = arith.index_cast %add3A_284 : i32 to index
        %get3A_286 = arith.constant 0 : index
        %get3A_287 = tpu.vector_load %arg6[%get3A_285, %get3A_286] {strides = array<i32>} : memref<1024x16xf32, #tpu.memory_space<vmem>>, vector<1x16xf32>,
        %get3A_288 = vector.shape_cast %get3A_287 : vector<1x16xf32> to vector<16xf32>
        %add3A_289 = arith.constant 0 : i32
        %add3A_290 = arith.addi %add3A_289, %scan3A_217 : i32
        %swap3A_291 = arith.index_cast %add3A_290 : i32 to index
        %swap3A_292 = arith.constant 80 : index
        %swap3A_293 = tpu.vector_load %arg7[%swap3A_291, %swap3A_292] {strides = array<i32>} : memref<128x128xf32, #tpu.memory_space<vmem>>, vector<1x16xf32>,
        %swap3A_294 = vector.shape_cast %swap3A_293 : vector<1x16xf32> to vector<16xf32>
        %swap3A_295 = vector.shape_cast %get3A_288 : vector<16xf32> to vector<1x16xf32>
        tpu.vector_store %arg7[%swap3A_291, %swap3A_292], %swap3A_295 {strides = array<i32>} : memref<128x128xf32, #tpu.memory_space<vmem>>, vector<1x16xf32>,
        %add3A_296 = arith.constant 6 : i32
        %add3A_297 = arith.addi %mul3A_219, %add3A_296 : i32
        %get3A_298 = arith.index_cast %add3A_297 : i32 to index
        %get3A_299 = arith.constant 0 : index
        %get3A_300 = tpu.vector_load %arg6[%get3A_298, %get3A_299] {strides = array<i32>} : memref<1024x16xf32, #tpu.memory_space<vmem>>, vector<1x16xf32>,
        %get3A_301 = vector.shape_cast %get3A_300 : vector<1x16xf32> to vector<16xf32>
        %add3A_302 = arith.constant 0 : i32
        %add3A_303 = arith.addi %add3A_302, %scan3A_217 : i32
        %swap3A_304 = arith.index_cast %add3A_303 : i32 to index
        %swap3A_305 = arith.constant 96 : index
        %swap3A_306 = tpu.vector_load %arg7[%swap3A_304, %swap3A_305] {strides = array<i32>} : memref<128x128xf32, #tpu.memory_space<vmem>>, vector<1x16xf32>,
        %swap3A_307 = vector.shape_cast %swap3A_306 : vector<1x16xf32> to vector<16xf32>
        %swap3A_308 = vector.shape_cast %get3A_301 : vector<16xf32> to vector<1x16xf32>
        tpu.vector_store %arg7[%swap3A_304, %swap3A_305], %swap3A_308 {strides = array<i32>} : memref<128x128xf32, #tpu.memory_space<vmem>>, vector<1x16xf32>,
        %add3A_309 = arith.constant 7 : i32
        %add3A_310 = arith.addi %mul3A_219, %add3A_309 : i32
        %get3A_311 = arith.index_cast %add3A_310 : i32 to index
        %get3A_312 = arith.constant 0 : index
        %get3A_313 = tpu.vector_load %arg6[%get3A_311, %get3A_312] {strides = array<i32>} : memref<1024x16xf32, #tpu.memory_space<vmem>>, vector<1x16xf32>,
        %get3A_314 = vector.shape_cast %get3A_313 : vector<1x16xf32> to vector<16xf32>
        %add3A_315 = arith.constant 0 : i32
        %add3A_316 = arith.addi %add3A_315, %scan3A_217 : i32
        %swap3A_317 = arith.index_cast %add3A_316 : i32 to index
        %swap3A_318 = arith.constant 112 : index
        %swap3A_319 = tpu.vector_load %arg7[%swap3A_317, %swap3A_318] {strides = array<i32>} : memref<128x128xf32, #tpu.memory_space<vmem>>, vector<1x16xf32>,
        %swap3A_320 = vector.shape_cast %swap3A_319 : vector<1x16xf32> to vector<16xf32>
        %swap3A_321 = vector.shape_cast %get3A_314 : vector<16xf32> to vector<1x16xf32>
        tpu.vector_store %arg7[%swap3A_317, %swap3A_318], %swap3A_321 {strides = array<i32>} : memref<128x128xf32, #tpu.memory_space<vmem>>, vector<1x16xf32>,
        %add3A_322 = arith.constant 8 : i32
        %add3A_323 = arith.addi %mul3A_219, %add3A_322 : i32
        %get3A_324 = arith.index_cast %add3A_323 : i32 to index
        %get3A_325 = arith.constant 0 : index
        %get3A_326 = tpu.vector_load %arg6[%get3A_324, %get3A_325] {strides = array<i32>} : memref<1024x16xf32, #tpu.memory_space<vmem>>, vector<1x16xf32>,
        %get3A_327 = vector.shape_cast %get3A_326 : vector<1x16xf32> to vector<16xf32>
        %add3A_328 = arith.constant 32 : i32
        %add3A_329 = arith.addi %add3A_328, %scan3A_217 : i32
        %swap3A_330 = arith.index_cast %add3A_329 : i32 to index
        %swap3A_331 = arith.constant 0 : index
        %swap3A_332 = tpu.vector_load %arg7[%swap3A_330, %swap3A_331] {strides = array<i32>} : memref<128x128xf32, #tpu.memory_space<vmem>>, vector<1x16xf32>,
        %swap3A_333 = vector.shape_cast %swap3A_332 : vector<1x16xf32> to vector<16xf32>
        %swap3A_334 = vector.shape_cast %get3A_327 : vector<16xf32> to vector<1x16xf32>
        tpu.vector_store %arg7[%swap3A_330, %swap3A_331], %swap3A_334 {strides = array<i32>} : memref<128x128xf32, #tpu.memory_space<vmem>>, vector<1x16xf32>,
        %add3A_335 = arith.constant 9 : i32
        %add3A_336 = arith.addi %mul3A_219, %add3A_335 : i32
        %get3A_337 = arith.index_cast %add3A_336 : i32 to index
        %get3A_338 = arith.constant 0 : index
        %get3A_339 = tpu.vector_load %arg6[%get3A_337, %get3A_338] {strides = array<i32>} : memref<1024x16xf32, #tpu.memory_space<vmem>>, vector<1x16xf32>,
        %get3A_340 = vector.shape_cast %get3A_339 : vector<1x16xf32> to vector<16xf32>
        %add3A_341 = arith.constant 32 : i32
        %add3A_342 = arith.addi %add3A_341, %scan3A_217 : i32
        %swap3A_343 = arith.index_cast %add3A_342 : i32 to index
        %swap3A_344 = arith.constant 16 : index
        %swap3A_345 = tpu.vector_load %arg7[%swap3A_343, %swap3A_344] {strides = array<i32>} : memref<128x128xf32, #tpu.memory_space<vmem>>, vector<1x16xf32>,
        %swap3A_346 = vector.shape_cast %swap3A_345 : vector<1x16xf32> to vector<16xf32>
        %swap3A_347 = vector.shape_cast %get3A_340 : vector<16xf32> to vector<1x16xf32>
        tpu.vector_store %arg7[%swap3A_343, %swap3A_344], %swap3A_347 {strides = array<i32>} : memref<128x128xf32, #tpu.memory_space<vmem>>, vector<1x16xf32>,
        %add3A_348 = arith.constant 10 : i32
        %add3A_349 = arith.addi %mul3A_219, %add3A_348 : i32
        %get3A_350 = arith.index_cast %add3A_349 : i32 to index
        %get3A_351 = arith.constant 0 : index
        %get3A_352 = tpu.vector_load %arg6[%get3A_350, %get3A_351] {strides = array<i32>} : memref<1024x16xf32, #tpu.memory_space<vmem>>, vector<1x16xf32>,
        %get3A_353 = vector.shape_cast %get3A_352 : vector<1x16xf32> to vector<16xf32>
        %add3A_354 = arith.constant 32 : i32
        %add3A_355 = arith.addi %add3A_354, %scan3A_217 : i32
        %swap3A_356 = arith.index_cast %add3A_355 : i32 to index
        %swap3A_357 = arith.constant 32 : index
        %swap3A_358 = tpu.vector_load %arg7[%swap3A_356, %swap3A_357] {strides = array<i32>} : memref<128x128xf32, #tpu.memory_space<vmem>>, vector<1x16xf32>,
        %swap3A_359 = vector.shape_cast %swap3A_358 : vector<1x16xf32> to vector<16xf32>
        %swap3A_360 = vector.shape_cast %get3A_353 : vector<16xf32> to vector<1x16xf32>
        tpu.vector_store %arg7[%swap3A_356, %swap3A_357], %swap3A_360 {strides = array<i32>} : memref<128x128xf32, #tpu.memory_space<vmem>>, vector<1x16xf32>,
        %add3A_361 = arith.constant 11 : i32
        %add3A_362 = arith.addi %mul3A_219, %add3A_361 : i32
        %get3A_363 = arith.index_cast %add3A_362 : i32 to index
        %get3A_364 = arith.constant 0 : index
        %get3A_365 = tpu.vector_load %arg6[%get3A_363, %get3A_364] {strides = array<i32>} : memref<1024x16xf32, #tpu.memory_space<vmem>>, vector<1x16xf32>,
        %get3A_366 = vector.shape_cast %get3A_365 : vector<1x16xf32> to vector<16xf32>
        %add3A_367 = arith.constant 32 : i32
        %add3A_368 = arith.addi %add3A_367, %scan3A_217 : i32
        %swap3A_369 = arith.index_cast %add3A_368 : i32 to index
        %swap3A_370 = arith.constant 48 : index
        %swap3A_371 = tpu.vector_load %arg7[%swap3A_369, %swap3A_370] {strides = array<i32>} : memref<128x128xf32, #tpu.memory_space<vmem>>, vector<1x16xf32>,
        %swap3A_372 = vector.shape_cast %swap3A_371 : vector<1x16xf32> to vector<16xf32>
        %swap3A_373 = vector.shape_cast %get3A_366 : vector<16xf32> to vector<1x16xf32>
        tpu.vector_store %arg7[%swap3A_369, %swap3A_370], %swap3A_373 {strides = array<i32>} : memref<128x128xf32, #tpu.memory_space<vmem>>, vector<1x16xf32>,
        %add3A_374 = arith.constant 12 : i32
        %add3A_375 = arith.addi %mul3A_219, %add3A_374 : i32
        %get3A_376 = arith.index_cast %add3A_375 : i32 to index
        %get3A_377 = arith.constant 0 : index
        %get3A_378 = tpu.vector_load %arg6[%get3A_376, %get3A_377] {strides = array<i32>} : memref<1024x16xf32, #tpu.memory_space<vmem>>, vector<1x16xf32>,
        %get3A_379 = vector.shape_cast %get3A_378 : vector<1x16xf32> to vector<16xf32>
        %add3A_380 = arith.constant 32 : i32
        %add3A_381 = arith.addi %add3A_380, %scan3A_217 : i32
        %swap3A_382 = arith.index_cast %add3A_381 : i32 to index
        %swap3A_383 = arith.constant 64 : index
        %swap3A_384 = tpu.vector_load %arg7[%swap3A_382, %swap3A_383] {strides = array<i32>} : memref<128x128xf32, #tpu.memory_space<vmem>>, vector<1x16xf32>,
        %swap3A_385 = vector.shape_cast %swap3A_384 : vector<1x16xf32> to vector<16xf32>
        %swap3A_386 = vector.shape_cast %get3A_379 : vector<16xf32> to vector<1x16xf32>
        tpu.vector_store %arg7[%swap3A_382, %swap3A_383], %swap3A_386 {strides = array<i32>} : memref<128x128xf32, #tpu.memory_space<vmem>>, vector<1x16xf32>,
        %add3A_387 = arith.constant 13 : i32
        %add3A_388 = arith.addi %mul3A_219, %add3A_387 : i32
        %get3A_389 = arith.index_cast %add3A_388 : i32 to index
        %get3A_390 = arith.constant 0 : index
        %get3A_391 = tpu.vector_load %arg6[%get3A_389, %get3A_390] {strides = array<i32>} : memref<1024x16xf32, #tpu.memory_space<vmem>>, vector<1x16xf32>,
        %get3A_392 = vector.shape_cast %get3A_391 : vector<1x16xf32> to vector<16xf32>
        %add3A_393 = arith.constant 32 : i32
        %add3A_394 = arith.addi %add3A_393, %scan3A_217 : i32
        %swap3A_395 = arith.index_cast %add3A_394 : i32 to index
        %swap3A_396 = arith.constant 80 : index
        %swap3A_397 = tpu.vector_load %arg7[%swap3A_395, %swap3A_396] {strides = array<i32>} : memref<128x128xf32, #tpu.memory_space<vmem>>, vector<1x16xf32>,
        %swap3A_398 = vector.shape_cast %swap3A_397 : vector<1x16xf32> to vector<16xf32>
        %swap3A_399 = vector.shape_cast %get3A_392 : vector<16xf32> to vector<1x16xf32>
        tpu.vector_store %arg7[%swap3A_395, %swap3A_396], %swap3A_399 {strides = array<i32>} : memref<128x128xf32, #tpu.memory_space<vmem>>, vector<1x16xf32>,
        %add3A_400 = arith.constant 14 : i32
        %add3A_401 = arith.addi %mul3A_219, %add3A_400 : i32
        %get3A_402 = arith.index_cast %add3A_401 : i32 to index
        %get3A_403 = arith.constant 0 : index
        %get3A_404 = tpu.vector_load %arg6[%get3A_402, %get3A_403] {strides = array<i32>} : memref<1024x16xf32, #tpu.memory_space<vmem>>, vector<1x16xf32>,
        %get3A_405 = vector.shape_cast %get3A_404 : vector<1x16xf32> to vector<16xf32>
        %add3A_406 = arith.constant 32 : i32
        %add3A_407 = arith.addi %add3A_406, %scan3A_217 : i32
        %swap3A_408 = arith.index_cast %add3A_407 : i32 to index
        %swap3A_409 = arith.constant 96 : index
        %swap3A_410 = tpu.vector_load %arg7[%swap3A_408, %swap3A_409] {strides = array<i32>} : memref<128x128xf32, #tpu.memory_space<vmem>>, vector<1x16xf32>,
        %swap3A_411 = vector.shape_cast %swap3A_410 : vector<1x16xf32> to vector<16xf32>
        %swap3A_412 = vector.shape_cast %get3A_405 : vector<16xf32> to vector<1x16xf32>
        tpu.vector_store %arg7[%swap3A_408, %swap3A_409], %swap3A_412 {strides = array<i32>} : memref<128x128xf32, #tpu.memory_space<vmem>>, vector<1x16xf32>,
        %add3A_413 = arith.constant 15 : i32
        %add3A_414 = arith.addi %mul3A_219, %add3A_413 : i32
        %get3A_415 = arith.index_cast %add3A_414 : i32 to index
        %get3A_416 = arith.constant 0 : index
        %get3A_417 = tpu.vector_load %arg6[%get3A_415, %get3A_416] {strides = array<i32>} : memref<1024x16xf32, #tpu.memory_space<vmem>>, vector<1x16xf32>,
        %get3A_418 = vector.shape_cast %get3A_417 : vector<1x16xf32> to vector<16xf32>
        %add3A_419 = arith.constant 32 : i32
        %add3A_420 = arith.addi %add3A_419, %scan3A_217 : i32
        %swap3A_421 = arith.index_cast %add3A_420 : i32 to index
        %swap3A_422 = arith.constant 112 : index
        %swap3A_423 = tpu.vector_load %arg7[%swap3A_421, %swap3A_422] {strides = array<i32>} : memref<128x128xf32, #tpu.memory_space<vmem>>, vector<1x16xf32>,
        %swap3A_424 = vector.shape_cast %swap3A_423 : vector<1x16xf32> to vector<16xf32>
        %swap3A_425 = vector.shape_cast %get3A_418 : vector<16xf32> to vector<1x16xf32>
        tpu.vector_store %arg7[%swap3A_421, %swap3A_422], %swap3A_425 {strides = array<i32>} : memref<128x128xf32, #tpu.memory_space<vmem>>, vector<1x16xf32>,
        %add3A_426 = arith.constant 16 : i32
        %add3A_427 = arith.addi %mul3A_219, %add3A_426 : i32
        %get3A_428 = arith.index_cast %add3A_427 : i32 to index
        %get3A_429 = arith.constant 0 : index
        %get3A_430 = tpu.vector_load %arg6[%get3A_428, %get3A_429] {strides = array<i32>} : memref<1024x16xf32, #tpu.memory_space<vmem>>, vector<1x16xf32>,
        %get3A_431 = vector.shape_cast %get3A_430 : vector<1x16xf32> to vector<16xf32>
        %add3A_432 = arith.constant 64 : i32
        %add3A_433 = arith.addi %add3A_432, %scan3A_217 : i32
        %swap3A_434 = arith.index_cast %add3A_433 : i32 to index
        %swap3A_435 = arith.constant 0 : index
        %swap3A_436 = tpu.vector_load %arg7[%swap3A_434, %swap3A_435] {strides = array<i32>} : memref<128x128xf32, #tpu.memory_space<vmem>>, vector<1x16xf32>,
        %swap3A_437 = vector.shape_cast %swap3A_436 : vector<1x16xf32> to vector<16xf32>
        %swap3A_438 = vector.shape_cast %get3A_431 : vector<16xf32> to vector<1x16xf32>
        tpu.vector_store %arg7[%swap3A_434, %swap3A_435], %swap3A_438 {strides = array<i32>} : memref<128x128xf32, #tpu.memory_space<vmem>>, vector<1x16xf32>,
        %add3A_439 = arith.constant 17 : i32
        %add3A_440 = arith.addi %mul3A_219, %add3A_439 : i32
        %get3A_441 = arith.index_cast %add3A_440 : i32 to index
        %get3A_442 = arith.constant 0 : index
        %get3A_443 = tpu.vector_load %arg6[%get3A_441, %get3A_442] {strides = array<i32>} : memref<1024x16xf32, #tpu.memory_space<vmem>>, vector<1x16xf32>,
        %get3A_444 = vector.shape_cast %get3A_443 : vector<1x16xf32> to vector<16xf32>
        %add3A_445 = arith.constant 64 : i32
        %add3A_446 = arith.addi %add3A_445, %scan3A_217 : i32
        %swap3A_447 = arith.index_cast %add3A_446 : i32 to index
        %swap3A_448 = arith.constant 16 : index
        %swap3A_449 = tpu.vector_load %arg7[%swap3A_447, %swap3A_448] {strides = array<i32>} : memref<128x128xf32, #tpu.memory_space<vmem>>, vector<1x16xf32>,
        %swap3A_450 = vector.shape_cast %swap3A_449 : vector<1x16xf32> to vector<16xf32>
        %swap3A_451 = vector.shape_cast %get3A_444 : vector<16xf32> to vector<1x16xf32>
        tpu.vector_store %arg7[%swap3A_447, %swap3A_448], %swap3A_451 {strides = array<i32>} : memref<128x128xf32, #tpu.memory_space<vmem>>, vector<1x16xf32>,
        %add3A_452 = arith.constant 18 : i32
        %add3A_453 = arith.addi %mul3A_219, %add3A_452 : i32
        %get3A_454 = arith.index_cast %add3A_453 : i32 to index
        %get3A_455 = arith.constant 0 : index
        %get3A_456 = tpu.vector_load %arg6[%get3A_454, %get3A_455] {strides = array<i32>} : memref<1024x16xf32, #tpu.memory_space<vmem>>, vector<1x16xf32>,
        %get3A_457 = vector.shape_cast %get3A_456 : vector<1x16xf32> to vector<16xf32>
        %add3A_458 = arith.constant 64 : i32
        %add3A_459 = arith.addi %add3A_458, %scan3A_217 : i32
        %swap3A_460 = arith.index_cast %add3A_459 : i32 to index
        %swap3A_461 = arith.constant 32 : index
        %swap3A_462 = tpu.vector_load %arg7[%swap3A_460, %swap3A_461] {strides = array<i32>} : memref<128x128xf32, #tpu.memory_space<vmem>>, vector<1x16xf32>,
        %swap3A_463 = vector.shape_cast %swap3A_462 : vector<1x16xf32> to vector<16xf32>
        %swap3A_464 = vector.shape_cast %get3A_457 : vector<16xf32> to vector<1x16xf32>
        tpu.vector_store %arg7[%swap3A_460, %swap3A_461], %swap3A_464 {strides = array<i32>} : memref<128x128xf32, #tpu.memory_space<vmem>>, vector<1x16xf32>,
        %add3A_465 = arith.constant 19 : i32
        %add3A_466 = arith.addi %mul3A_219, %add3A_465 : i32
        %get3A_467 = arith.index_cast %add3A_466 : i32 to index
        %get3A_468 = arith.constant 0 : index
        %get3A_469 = tpu.vector_load %arg6[%get3A_467, %get3A_468] {strides = array<i32>} : memref<1024x16xf32, #tpu.memory_space<vmem>>, vector<1x16xf32>,
        %get3A_470 = vector.shape_cast %get3A_469 : vector<1x16xf32> to vector<16xf32>
        %add3A_471 = arith.constant 64 : i32
        %add3A_472 = arith.addi %add3A_471, %scan3A_217 : i32
        %swap3A_473 = arith.index_cast %add3A_472 : i32 to index
        %swap3A_474 = arith.constant 48 : index
        %swap3A_475 = tpu.vector_load %arg7[%swap3A_473, %swap3A_474] {strides = array<i32>} : memref<128x128xf32, #tpu.memory_space<vmem>>, vector<1x16xf32>,
        %swap3A_476 = vector.shape_cast %swap3A_475 : vector<1x16xf32> to vector<16xf32>
        %swap3A_477 = vector.shape_cast %get3A_470 : vector<16xf32> to vector<1x16xf32>
        tpu.vector_store %arg7[%swap3A_473, %swap3A_474], %swap3A_477 {strides = array<i32>} : memref<128x128xf32, #tpu.memory_space<vmem>>, vector<1x16xf32>,
        %add3A_478 = arith.constant 20 : i32
        %add3A_479 = arith.addi %mul3A_219, %add3A_478 : i32
        %get3A_480 = arith.index_cast %add3A_479 : i32 to index
        %get3A_481 = arith.constant 0 : index
        %get3A_482 = tpu.vector_load %arg6[%get3A_480, %get3A_481] {strides = array<i32>} : memref<1024x16xf32, #tpu.memory_space<vmem>>, vector<1x16xf32>,
        %get3A_483 = vector.shape_cast %get3A_482 : vector<1x16xf32> to vector<16xf32>
        %add3A_484 = arith.constant 64 : i32
        %add3A_485 = arith.addi %add3A_484, %scan3A_217 : i32
        %swap3A_486 = arith.index_cast %add3A_485 : i32 to index
        %swap3A_487 = arith.constant 64 : index
        %swap3A_488 = tpu.vector_load %arg7[%swap3A_486, %swap3A_487] {strides = array<i32>} : memref<128x128xf32, #tpu.memory_space<vmem>>, vector<1x16xf32>,
        %swap3A_489 = vector.shape_cast %swap3A_488 : vector<1x16xf32> to vector<16xf32>
        %swap3A_490 = vector.shape_cast %get3A_483 : vector<16xf32> to vector<1x16xf32>
        tpu.vector_store %arg7[%swap3A_486, %swap3A_487], %swap3A_490 {strides = array<i32>} : memref<128x128xf32, #tpu.memory_space<vmem>>, vector<1x16xf32>,
        %add3A_491 = arith.constant 21 : i32
        %add3A_492 = arith.addi %mul3A_219, %add3A_491 : i32
        %get3A_493 = arith.index_cast %add3A_492 : i32 to index
        %get3A_494 = arith.constant 0 : index
        %get3A_495 = tpu.vector_load %arg6[%get3A_493, %get3A_494] {strides = array<i32>} : memref<1024x16xf32, #tpu.memory_space<vmem>>, vector<1x16xf32>,
        %get3A_496 = vector.shape_cast %get3A_495 : vector<1x16xf32> to vector<16xf32>
        %add3A_497 = arith.constant 64 : i32
        %add3A_498 = arith.addi %add3A_497, %scan3A_217 : i32
        %swap3A_499 = arith.index_cast %add3A_498 : i32 to index
        %swap3A_500 = arith.constant 80 : index
        %swap3A_501 = tpu.vector_load %arg7[%swap3A_499, %swap3A_500] {strides = array<i32>} : memref<128x128xf32, #tpu.memory_space<vmem>>, vector<1x16xf32>,
        %swap3A_502 = vector.shape_cast %swap3A_501 : vector<1x16xf32> to vector<16xf32>
        %swap3A_503 = vector.shape_cast %get3A_496 : vector<16xf32> to vector<1x16xf32>
        tpu.vector_store %arg7[%swap3A_499, %swap3A_500], %swap3A_503 {strides = array<i32>} : memref<128x128xf32, #tpu.memory_space<vmem>>, vector<1x16xf32>,
        %add3A_504 = arith.constant 22 : i32
        %add3A_505 = arith.addi %mul3A_219, %add3A_504 : i32
        %get3A_506 = arith.index_cast %add3A_505 : i32 to index
        %get3A_507 = arith.constant 0 : index
        %get3A_508 = tpu.vector_load %arg6[%get3A_506, %get3A_507] {strides = array<i32>} : memref<1024x16xf32, #tpu.memory_space<vmem>>, vector<1x16xf32>,
        %get3A_509 = vector.shape_cast %get3A_508 : vector<1x16xf32> to vector<16xf32>
        %add3A_510 = arith.constant 64 : i32
        %add3A_511 = arith.addi %add3A_510, %scan3A_217 : i32
        %swap3A_512 = arith.index_cast %add3A_511 : i32 to index
        %swap3A_513 = arith.constant 96 : index
        %swap3A_514 = tpu.vector_load %arg7[%swap3A_512, %swap3A_513] {strides = array<i32>} : memref<128x128xf32, #tpu.memory_space<vmem>>, vector<1x16xf32>,
        %swap3A_515 = vector.shape_cast %swap3A_514 : vector<1x16xf32> to vector<16xf32>
        %swap3A_516 = vector.shape_cast %get3A_509 : vector<16xf32> to vector<1x16xf32>
        tpu.vector_store %arg7[%swap3A_512, %swap3A_513], %swap3A_516 {strides = array<i32>} : memref<128x128xf32, #tpu.memory_space<vmem>>, vector<1x16xf32>,
        %add3A_517 = arith.constant 23 : i32
        %add3A_518 = arith.addi %mul3A_219, %add3A_517 : i32
        %get3A_519 = arith.index_cast %add3A_518 : i32 to index
        %get3A_520 = arith.constant 0 : index
        %get3A_521 = tpu.vector_load %arg6[%get3A_519, %get3A_520] {strides = array<i32>} : memref<1024x16xf32, #tpu.memory_space<vmem>>, vector<1x16xf32>,
        %get3A_522 = vector.shape_cast %get3A_521 : vector<1x16xf32> to vector<16xf32>
        %add3A_523 = arith.constant 64 : i32
        %add3A_524 = arith.addi %add3A_523, %scan3A_217 : i32
        %swap3A_525 = arith.index_cast %add3A_524 : i32 to index
        %swap3A_526 = arith.constant 112 : index
        %swap3A_527 = tpu.vector_load %arg7[%swap3A_525, %swap3A_526] {strides = array<i32>} : memref<128x128xf32, #tpu.memory_space<vmem>>, vector<1x16xf32>,
        %swap3A_528 = vector.shape_cast %swap3A_527 : vector<1x16xf32> to vector<16xf32>
        %swap3A_529 = vector.shape_cast %get3A_522 : vector<16xf32> to vector<1x16xf32>
        tpu.vector_store %arg7[%swap3A_525, %swap3A_526], %swap3A_529 {strides = array<i32>} : memref<128x128xf32, #tpu.memory_space<vmem>>, vector<1x16xf32>,
        %add3A_530 = arith.constant 24 : i32
        %add3A_531 = arith.addi %mul3A_219, %add3A_530 : i32
        %get3A_532 = arith.index_cast %add3A_531 : i32 to index
        %get3A_533 = arith.constant 0 : index
        %get3A_534 = tpu.vector_load %arg6[%get3A_532, %get3A_533] {strides = array<i32>} : memref<1024x16xf32, #tpu.memory_space<vmem>>, vector<1x16xf32>,
        %get3A_535 = vector.shape_cast %get3A_534 : vector<1x16xf32> to vector<16xf32>
        %add3A_536 = arith.constant 96 : i32
        %add3A_537 = arith.addi %add3A_536, %scan3A_217 : i32
        %swap3A_538 = arith.index_cast %add3A_537 : i32 to index
        %swap3A_539 = arith.constant 0 : index
        %swap3A_540 = tpu.vector_load %arg7[%swap3A_538, %swap3A_539] {strides = array<i32>} : memref<128x128xf32, #tpu.memory_space<vmem>>, vector<1x16xf32>,
        %swap3A_541 = vector.shape_cast %swap3A_540 : vector<1x16xf32> to vector<16xf32>
        %swap3A_542 = vector.shape_cast %get3A_535 : vector<16xf32> to vector<1x16xf32>
        tpu.vector_store %arg7[%swap3A_538, %swap3A_539], %swap3A_542 {strides = array<i32>} : memref<128x128xf32, #tpu.memory_space<vmem>>, vector<1x16xf32>,
        %add3A_543 = arith.constant 25 : i32
        %add3A_544 = arith.addi %mul3A_219, %add3A_543 : i32
        %get3A_545 = arith.index_cast %add3A_544 : i32 to index
        %get3A_546 = arith.constant 0 : index
        %get3A_547 = tpu.vector_load %arg6[%get3A_545, %get3A_546] {strides = array<i32>} : memref<1024x16xf32, #tpu.memory_space<vmem>>, vector<1x16xf32>,
        %get3A_548 = vector.shape_cast %get3A_547 : vector<1x16xf32> to vector<16xf32>
        %add3A_549 = arith.constant 96 : i32
        %add3A_550 = arith.addi %add3A_549, %scan3A_217 : i32
        %swap3A_551 = arith.index_cast %add3A_550 : i32 to index
        %swap3A_552 = arith.constant 16 : index
        %swap3A_553 = tpu.vector_load %arg7[%swap3A_551, %swap3A_552] {strides = array<i32>} : memref<128x128xf32, #tpu.memory_space<vmem>>, vector<1x16xf32>,
        %swap3A_554 = vector.shape_cast %swap3A_553 : vector<1x16xf32> to vector<16xf32>
        %swap3A_555 = vector.shape_cast %get3A_548 : vector<16xf32> to vector<1x16xf32>
        tpu.vector_store %arg7[%swap3A_551, %swap3A_552], %swap3A_555 {strides = array<i32>} : memref<128x128xf32, #tpu.memory_space<vmem>>, vector<1x16xf32>,
        %add3A_556 = arith.constant 26 : i32
        %add3A_557 = arith.addi %mul3A_219, %add3A_556 : i32
        %get3A_558 = arith.index_cast %add3A_557 : i32 to index
        %get3A_559 = arith.constant 0 : index
        %get3A_560 = tpu.vector_load %arg6[%get3A_558, %get3A_559] {strides = array<i32>} : memref<1024x16xf32, #tpu.memory_space<vmem>>, vector<1x16xf32>,
        %get3A_561 = vector.shape_cast %get3A_560 : vector<1x16xf32> to vector<16xf32>
        %add3A_562 = arith.constant 96 : i32
        %add3A_563 = arith.addi %add3A_562, %scan3A_217 : i32
        %swap3A_564 = arith.index_cast %add3A_563 : i32 to index
        %swap3A_565 = arith.constant 32 : index
        %swap3A_566 = tpu.vector_load %arg7[%swap3A_564, %swap3A_565] {strides = array<i32>} : memref<128x128xf32, #tpu.memory_space<vmem>>, vector<1x16xf32>,
        %swap3A_567 = vector.shape_cast %swap3A_566 : vector<1x16xf32> to vector<16xf32>
        %swap3A_568 = vector.shape_cast %get3A_561 : vector<16xf32> to vector<1x16xf32>
        tpu.vector_store %arg7[%swap3A_564, %swap3A_565], %swap3A_568 {strides = array<i32>} : memref<128x128xf32, #tpu.memory_space<vmem>>, vector<1x16xf32>,
        %add3A_569 = arith.constant 27 : i32
        %add3A_570 = arith.addi %mul3A_219, %add3A_569 : i32
        %get3A_571 = arith.index_cast %add3A_570 : i32 to index
        %get3A_572 = arith.constant 0 : index
        %get3A_573 = tpu.vector_load %arg6[%get3A_571, %get3A_572] {strides = array<i32>} : memref<1024x16xf32, #tpu.memory_space<vmem>>, vector<1x16xf32>,
        %get3A_574 = vector.shape_cast %get3A_573 : vector<1x16xf32> to vector<16xf32>
        %add3A_575 = arith.constant 96 : i32
        %add3A_576 = arith.addi %add3A_575, %scan3A_217 : i32
        %swap3A_577 = arith.index_cast %add3A_576 : i32 to index
        %swap3A_578 = arith.constant 48 : index
        %swap3A_579 = tpu.vector_load %arg7[%swap3A_577, %swap3A_578] {strides = array<i32>} : memref<128x128xf32, #tpu.memory_space<vmem>>, vector<1x16xf32>,
        %swap3A_580 = vector.shape_cast %swap3A_579 : vector<1x16xf32> to vector<16xf32>
        %swap3A_581 = vector.shape_cast %get3A_574 : vector<16xf32> to vector<1x16xf32>
        tpu.vector_store %arg7[%swap3A_577, %swap3A_578], %swap3A_581 {strides = array<i32>} : memref<128x128xf32, #tpu.memory_space<vmem>>, vector<1x16xf32>,
        %add3A_582 = arith.constant 28 : i32
        %add3A_583 = arith.addi %mul3A_219, %add3A_582 : i32
        %get3A_584 = arith.index_cast %add3A_583 : i32 to index
        %get3A_585 = arith.constant 0 : index
        %get3A_586 = tpu.vector_load %arg6[%get3A_584, %get3A_585] {strides = array<i32>} : memref<1024x16xf32, #tpu.memory_space<vmem>>, vector<1x16xf32>,
        %get3A_587 = vector.shape_cast %get3A_586 : vector<1x16xf32> to vector<16xf32>
        %add3A_588 = arith.constant 96 : i32
        %add3A_589 = arith.addi %add3A_588, %scan3A_217 : i32
        %swap3A_590 = arith.index_cast %add3A_589 : i32 to index
        %swap3A_591 = arith.constant 64 : index
        %swap3A_592 = tpu.vector_load %arg7[%swap3A_590, %swap3A_591] {strides = array<i32>} : memref<128x128xf32, #tpu.memory_space<vmem>>, vector<1x16xf32>,
        %swap3A_593 = vector.shape_cast %swap3A_592 : vector<1x16xf32> to vector<16xf32>
        %swap3A_594 = vector.shape_cast %get3A_587 : vector<16xf32> to vector<1x16xf32>
        tpu.vector_store %arg7[%swap3A_590, %swap3A_591], %swap3A_594 {strides = array<i32>} : memref<128x128xf32, #tpu.memory_space<vmem>>, vector<1x16xf32>,
        %add3A_595 = arith.constant 29 : i32
        %add3A_596 = arith.addi %mul3A_219, %add3A_595 : i32
        %get3A_597 = arith.index_cast %add3A_596 : i32 to index
        %get3A_598 = arith.constant 0 : index
        %get3A_599 = tpu.vector_load %arg6[%get3A_597, %get3A_598] {strides = array<i32>} : memref<1024x16xf32, #tpu.memory_space<vmem>>, vector<1x16xf32>,
        %get3A_600 = vector.shape_cast %get3A_599 : vector<1x16xf32> to vector<16xf32>
        %add3A_601 = arith.constant 96 : i32
        %add3A_602 = arith.addi %add3A_601, %scan3A_217 : i32
        %swap3A_603 = arith.index_cast %add3A_602 : i32 to index
        %swap3A_604 = arith.constant 80 : index
        %swap3A_605 = tpu.vector_load %arg7[%swap3A_603, %swap3A_604] {strides = array<i32>} : memref<128x128xf32, #tpu.memory_space<vmem>>, vector<1x16xf32>,
        %swap3A_606 = vector.shape_cast %swap3A_605 : vector<1x16xf32> to vector<16xf32>
        %swap3A_607 = vector.shape_cast %get3A_600 : vector<16xf32> to vector<1x16xf32>
        tpu.vector_store %arg7[%swap3A_603, %swap3A_604], %swap3A_607 {strides = array<i32>} : memref<128x128xf32, #tpu.memory_space<vmem>>, vector<1x16xf32>,
        %add3A_608 = arith.constant 30 : i32
        %add3A_609 = arith.addi %mul3A_219, %add3A_608 : i32
        %get3A_610 = arith.index_cast %add3A_609 : i32 to index
        %get3A_611 = arith.constant 0 : index
        %get3A_612 = tpu.vector_load %arg6[%get3A_610, %get3A_611] {strides = array<i32>} : memref<1024x16xf32, #tpu.memory_space<vmem>>, vector<1x16xf32>,
        %get3A_613 = vector.shape_cast %get3A_612 : vector<1x16xf32> to vector<16xf32>
        %add3A_614 = arith.constant 96 : i32
        %add3A_615 = arith.addi %add3A_614, %scan3A_217 : i32
        %swap3A_616 = arith.index_cast %add3A_615 : i32 to index
        %swap3A_617 = arith.constant 96 : index
        %swap3A_618 = tpu.vector_load %arg7[%swap3A_616, %swap3A_617] {strides = array<i32>} : memref<128x128xf32, #tpu.memory_space<vmem>>, vector<1x16xf32>,
        %swap3A_619 = vector.shape_cast %swap3A_618 : vector<1x16xf32> to vector<16xf32>
        %swap3A_620 = vector.shape_cast %get3A_613 : vector<16xf32> to vector<1x16xf32>
        tpu.vector_store %arg7[%swap3A_616, %swap3A_617], %swap3A_620 {strides = array<i32>} : memref<128x128xf32, #tpu.memory_space<vmem>>, vector<1x16xf32>,
        %add3A_621 = arith.constant 31 : i32
        %add3A_622 = arith.addi %mul3A_219, %add3A_621 : i32
        %get3A_623 = arith.index_cast %add3A_622 : i32 to index
        %get3A_624 = arith.constant 0 : index
        %get3A_625 = tpu.vector_load %arg6[%get3A_623, %get3A_624] {strides = array<i32>} : memref<1024x16xf32, #tpu.memory_space<vmem>>, vector<1x16xf32>,
        %get3A_626 = vector.shape_cast %get3A_625 : vector<1x16xf32> to vector<16xf32>
        %add3A_627 = arith.constant 96 : i32
        %add3A_628 = arith.addi %add3A_627, %scan3A_217 : i32
        %swap3A_629 = arith.index_cast %add3A_628 : i32 to index
        %swap3A_630 = arith.constant 112 : index
        %swap3A_631 = tpu.vector_load %arg7[%swap3A_629, %swap3A_630] {strides = array<i32>} : memref<128x128xf32, #tpu.memory_space<vmem>>, vector<1x16xf32>,
        %swap3A_632 = vector.shape_cast %swap3A_631 : vector<1x16xf32> to vector<16xf32>
        %swap3A_633 = vector.shape_cast %get3A_626 : vector<16xf32> to vector<1x16xf32>
        tpu.vector_store %arg7[%swap3A_629, %swap3A_630], %swap3A_633 {strides = array<i32>} : memref<128x128xf32, #tpu.memory_space<vmem>>, vector<1x16xf32>,
      }
      %scan3A_188 = arith.constant 32 : i32
      %mul3A_189 = arith.constant 2048 : i32
      %mul3A_190 = arith.muli %add3A, %mul3A_189 : i32
      %add3A_191 = arith.constant 0 : i32
      %add3A_192 = arith.addi %mul3A_190, %add3A_191 : i32
      %mul3A_193 = arith.constant 32 : i32
      %mul3A_194 = arith.muli %scan3A_8, %mul3A_193 : i32
      %add3A_195 = arith.addi %add3A_192, %mul3A_194 : i32
      "tpu.region"() ({
        %run_scoped3A = tpu.sem_alloc : memref<!tpu.dma_semaphore, #tpu.memory_space<semaphore_mem>>
        %dma_start3A_217 = arith.constant 0 : i32
        %dma_start3A_218 = arith.constant 0 : i32
        %dma_start3A_219 = tpu.memref_slice %arg7[%dma_start3A_217, %dma_start3A_218] : memref<128x128xf32, #tpu.memory_space<vmem>> -> memref<32x128xf32, #tpu.memory_space<vmem>>
        %dma_start3A_220 = arith.constant 0 : i32
        %dma_start3A_221 = tpu.memref_slice %arg4[%add3A_195, %dma_start3A_220] : memref<65536x128xf32, #tpu.memory_space<hbm>> -> memref<32x128xf32, #tpu.memory_space<hbm>>
        %dma_start3A_222 = arith.constant 0 : i32
        %dma_start3A_223 = tpu.memref_slice %arg4[%add3A_195, %dma_start3A_222] : memref<65536x128xf32, #tpu.memory_space<hbm>> -> memref<32x128xf32, #tpu.memory_space<hbm>>
        %dma_start3A_224 = arith.constant 0 : i32
        %dma_start3A_225 = arith.constant 0 : i32
        %dma_start3A_226 = tpu.memref_slice %arg7[%dma_start3A_224, %dma_start3A_225] : memref<128x128xf32, #tpu.memory_space<vmem>> -> memref<32x128xf32, #tpu.memory_space<vmem>>
        tpu.enqueue_dma source(%dma_start3A_226 : memref<32x128xf32, #tpu.memory_space<vmem>>) target(%dma_start3A_223 : memref<32x128xf32, #tpu.memory_space<hbm>>) target_semaphore(%run_scoped3A : memref<!tpu.dma_semaphore, #tpu.memory_space<semaphore_mem>>)
        %dma_wait3A_227 = arith.constant 0 : i32
        %dma_wait3A_228 = arith.constant 0 : i32
        %dma_wait3A_229 = tpu.memref_slice %arg7[%dma_wait3A_227, %dma_wait3A_228] : memref<128x128xf32, #tpu.memory_space<vmem>> -> memref<32x128xf32, #tpu.memory_space<vmem>>
        %dma_wait3A_230 = arith.constant 0 : i32
        %dma_wait3A_231 = tpu.memref_slice %arg4[%add3A_195, %dma_wait3A_230] : memref<65536x128xf32, #tpu.memory_space<hbm>> -> memref<32x128xf32, #tpu.memory_space<hbm>>
        %dma_wait3A_232 = arith.constant 0 : i32
        %dma_wait3A_233 = tpu.memref_slice %arg4[%add3A_195, %dma_wait3A_232] : memref<65536x128xf32, #tpu.memory_space<hbm>> -> memref<32x128xf32, #tpu.memory_space<hbm>>
        %dma_wait3A_234 = arith.constant 0 : i32
        %dma_wait3A_235 = arith.constant 0 : i32
        %dma_wait3A_236 = tpu.memref_slice %arg7[%dma_wait3A_234, %dma_wait3A_235] : memref<128x128xf32, #tpu.memory_space<vmem>> -> memref<32x128xf32, #tpu.memory_space<vmem>>
        tpu.wait_dma2 semaphore(%run_scoped3A : memref<!tpu.dma_semaphore, #tpu.memory_space<semaphore_mem>>) src(%dma_wait3A_236 : memref<32x128xf32, #tpu.memory_space<vmem>>) dst(%dma_wait3A_233 : memref<32x128xf32, #tpu.memory_space<hbm>>)
        tpu.yield
      }) : () -> ()
      %mul3A_196 = arith.constant 2048 : i32
      %mul3A_197 = arith.muli %add3A, %mul3A_196 : i32
      %add3A_198 = arith.constant 512 : i32
      %add3A_199 = arith.addi %mul3A_197, %add3A_198 : i32
      %mul3A_200 = arith.constant 32 : i32
      %mul3A_201 = arith.muli %scan3A_8, %mul3A_200 : i32
      %add3A_202 = arith.addi %add3A_199, %mul3A_201 : i32
      "tpu.region"() ({
        %run_scoped3A = tpu.sem_alloc : memref<!tpu.dma_semaphore, #tpu.memory_space<semaphore_mem>>
        %dma_start3A_217 = arith.constant 32 : i32
        %dma_start3A_218 = arith.constant 0 : i32
        %dma_start3A_219 = tpu.memref_slice %arg7[%dma_start3A_217, %dma_start3A_218] : memref<128x128xf32, #tpu.memory_space<vmem>> -> memref<32x128xf32, #tpu.memory_space<vmem>>
        %dma_start3A_220 = arith.constant 0 : i32
        %dma_start3A_221 = tpu.memref_slice %arg4[%add3A_202, %dma_start3A_220] : memref<65536x128xf32, #tpu.memory_space<hbm>> -> memref<32x128xf32, #tpu.memory_space<hbm>>
        %dma_start3A_222 = arith.constant 0 : i32
        %dma_start3A_223 = tpu.memref_slice %arg4[%add3A_202, %dma_start3A_222] : memref<65536x128xf32, #tpu.memory_space<hbm>> -> memref<32x128xf32, #tpu.memory_space<hbm>>
        %dma_start3A_224 = arith.constant 32 : i32
        %dma_start3A_225 = arith.constant 0 : i32
        %dma_start3A_226 = tpu.memref_slice %arg7[%dma_start3A_224, %dma_start3A_225] : memref<128x128xf32, #tpu.memory_space<vmem>> -> memref<32x128xf32, #tpu.memory_space<vmem>>
        tpu.enqueue_dma source(%dma_start3A_226 : memref<32x128xf32, #tpu.memory_space<vmem>>) target(%dma_start3A_223 : memref<32x128xf32, #tpu.memory_space<hbm>>) target_semaphore(%run_scoped3A : memref<!tpu.dma_semaphore, #tpu.memory_space<semaphore_mem>>)
        %dma_wait3A_227 = arith.constant 32 : i32
        %dma_wait3A_228 = arith.constant 0 : i32
        %dma_wait3A_229 = tpu.memref_slice %arg7[%dma_wait3A_227, %dma_wait3A_228] : memref<128x128xf32, #tpu.memory_space<vmem>> -> memref<32x128xf32, #tpu.memory_space<vmem>>
        %dma_wait3A_230 = arith.constant 0 : i32
        %dma_wait3A_231 = tpu.memref_slice %arg4[%add3A_202, %dma_wait3A_230] : memref<65536x128xf32, #tpu.memory_space<hbm>> -> memref<32x128xf32, #tpu.memory_space<hbm>>
        %dma_wait3A_232 = arith.constant 0 : i32
        %dma_wait3A_233 = tpu.memref_slice %arg4[%add3A_202, %dma_wait3A_232] : memref<65536x128xf32, #tpu.memory_space<hbm>> -> memref<32x128xf32, #tpu.memory_space<hbm>>
        %dma_wait3A_234 = arith.constant 32 : i32
        %dma_wait3A_235 = arith.constant 0 : i32
        %dma_wait3A_236 = tpu.memref_slice %arg7[%dma_wait3A_234, %dma_wait3A_235] : memref<128x128xf32, #tpu.memory_space<vmem>> -> memref<32x128xf32, #tpu.memory_space<vmem>>
        tpu.wait_dma2 semaphore(%run_scoped3A : memref<!tpu.dma_semaphore, #tpu.memory_space<semaphore_mem>>) src(%dma_wait3A_236 : memref<32x128xf32, #tpu.memory_space<vmem>>) dst(%dma_wait3A_233 : memref<32x128xf32, #tpu.memory_space<hbm>>)
        tpu.yield
      }) : () -> ()
      %mul3A_203 = arith.constant 2048 : i32
      %mul3A_204 = arith.muli %add3A, %mul3A_203 : i32
      %add3A_205 = arith.constant 1024 : i32
      %add3A_206 = arith.addi %mul3A_204, %add3A_205 : i32
      %mul3A_207 = arith.constant 32 : i32
      %mul3A_208 = arith.muli %scan3A_8, %mul3A_207 : i32
      %add3A_209 = arith.addi %add3A_206, %mul3A_208 : i32
      "tpu.region"() ({
        %run_scoped3A = tpu.sem_alloc : memref<!tpu.dma_semaphore, #tpu.memory_space<semaphore_mem>>
        %dma_start3A_217 = arith.constant 64 : i32
        %dma_start3A_218 = arith.constant 0 : i32
        %dma_start3A_219 = tpu.memref_slice %arg7[%dma_start3A_217, %dma_start3A_218] : memref<128x128xf32, #tpu.memory_space<vmem>> -> memref<32x128xf32, #tpu.memory_space<vmem>>
        %dma_start3A_220 = arith.constant 0 : i32
        %dma_start3A_221 = tpu.memref_slice %arg4[%add3A_209, %dma_start3A_220] : memref<65536x128xf32, #tpu.memory_space<hbm>> -> memref<32x128xf32, #tpu.memory_space<hbm>>
        %dma_start3A_222 = arith.constant 0 : i32
        %dma_start3A_223 = tpu.memref_slice %arg4[%add3A_209, %dma_start3A_222] : memref<65536x128xf32, #tpu.memory_space<hbm>> -> memref<32x128xf32, #tpu.memory_space<hbm>>
        %dma_start3A_224 = arith.constant 64 : i32
        %dma_start3A_225 = arith.constant 0 : i32
        %dma_start3A_226 = tpu.memref_slice %arg7[%dma_start3A_224, %dma_start3A_225] : memref<128x128xf32, #tpu.memory_space<vmem>> -> memref<32x128xf32, #tpu.memory_space<vmem>>
        tpu.enqueue_dma source(%dma_start3A_226 : memref<32x128xf32, #tpu.memory_space<vmem>>) target(%dma_start3A_223 : memref<32x128xf32, #tpu.memory_space<hbm>>) target_semaphore(%run_scoped3A : memref<!tpu.dma_semaphore, #tpu.memory_space<semaphore_mem>>)
        %dma_wait3A_227 = arith.constant 64 : i32
        %dma_wait3A_228 = arith.constant 0 : i32
        %dma_wait3A_229 = tpu.memref_slice %arg7[%dma_wait3A_227, %dma_wait3A_228] : memref<128x128xf32, #tpu.memory_space<vmem>> -> memref<32x128xf32, #tpu.memory_space<vmem>>
        %dma_wait3A_230 = arith.constant 0 : i32
        %dma_wait3A_231 = tpu.memref_slice %arg4[%add3A_209, %dma_wait3A_230] : memref<65536x128xf32, #tpu.memory_space<hbm>> -> memref<32x128xf32, #tpu.memory_space<hbm>>
        %dma_wait3A_232 = arith.constant 0 : i32
        %dma_wait3A_233 = tpu.memref_slice %arg4[%add3A_209, %dma_wait3A_232] : memref<65536x128xf32, #tpu.memory_space<hbm>> -> memref<32x128xf32, #tpu.memory_space<hbm>>
        %dma_wait3A_234 = arith.constant 64 : i32
        %dma_wait3A_235 = arith.constant 0 : i32
        %dma_wait3A_236 = tpu.memref_slice %arg7[%dma_wait3A_234, %dma_wait3A_235] : memref<128x128xf32, #tpu.memory_space<vmem>> -> memref<32x128xf32, #tpu.memory_space<vmem>>
        tpu.wait_dma2 semaphore(%run_scoped3A : memref<!tpu.dma_semaphore, #tpu.memory_space<semaphore_mem>>) src(%dma_wait3A_236 : memref<32x128xf32, #tpu.memory_space<vmem>>) dst(%dma_wait3A_233 : memref<32x128xf32, #tpu.memory_space<hbm>>)
        tpu.yield
      }) : () -> ()
      %mul3A_210 = arith.constant 2048 : i32
      %mul3A_211 = arith.muli %add3A, %mul3A_210 : i32
      %add3A_212 = arith.constant 1536 : i32
      %add3A_213 = arith.addi %mul3A_211, %add3A_212 : i32
      %mul3A_214 = arith.constant 32 : i32
      %mul3A_215 = arith.muli %scan3A_8, %mul3A_214 : i32
      %add3A_216 = arith.addi %add3A_213, %mul3A_215 : i32
      "tpu.region"() ({
        %run_scoped3A = tpu.sem_alloc : memref<!tpu.dma_semaphore, #tpu.memory_space<semaphore_mem>>
        %dma_start3A_217 = arith.constant 96 : i32
        %dma_start3A_218 = arith.constant 0 : i32
        %dma_start3A_219 = tpu.memref_slice %arg7[%dma_start3A_217, %dma_start3A_218] : memref<128x128xf32, #tpu.memory_space<vmem>> -> memref<32x128xf32, #tpu.memory_space<vmem>>
        %dma_start3A_220 = arith.constant 0 : i32
        %dma_start3A_221 = tpu.memref_slice %arg4[%add3A_216, %dma_start3A_220] : memref<65536x128xf32, #tpu.memory_space<hbm>> -> memref<32x128xf32, #tpu.memory_space<hbm>>
        %dma_start3A_222 = arith.constant 0 : i32
        %dma_start3A_223 = tpu.memref_slice %arg4[%add3A_216, %dma_start3A_222] : memref<65536x128xf32, #tpu.memory_space<hbm>> -> memref<32x128xf32, #tpu.memory_space<hbm>>
        %dma_start3A_224 = arith.constant 96 : i32
        %dma_start3A_225 = arith.constant 0 : i32
        %dma_start3A_226 = tpu.memref_slice %arg7[%dma_start3A_224, %dma_start3A_225] : memref<128x128xf32, #tpu.memory_space<vmem>> -> memref<32x128xf32, #tpu.memory_space<vmem>>
        tpu.enqueue_dma source(%dma_start3A_226 : memref<32x128xf32, #tpu.memory_space<vmem>>) target(%dma_start3A_223 : memref<32x128xf32, #tpu.memory_space<hbm>>) target_semaphore(%run_scoped3A : memref<!tpu.dma_semaphore, #tpu.memory_space<semaphore_mem>>)
        %dma_wait3A_227 = arith.constant 96 : i32
        %dma_wait3A_228 = arith.constant 0 : i32
        %dma_wait3A_229 = tpu.memref_slice %arg7[%dma_wait3A_227, %dma_wait3A_228] : memref<128x128xf32, #tpu.memory_space<vmem>> -> memref<32x128xf32, #tpu.memory_space<vmem>>
        %dma_wait3A_230 = arith.constant 0 : i32
        %dma_wait3A_231 = tpu.memref_slice %arg4[%add3A_216, %dma_wait3A_230] : memref<65536x128xf32, #tpu.memory_space<hbm>> -> memref<32x128xf32, #tpu.memory_space<hbm>>
        %dma_wait3A_232 = arith.constant 0 : i32
        %dma_wait3A_233 = tpu.memref_slice %arg4[%add3A_216, %dma_wait3A_232] : memref<65536x128xf32, #tpu.memory_space<hbm>> -> memref<32x128xf32, #tpu.memory_space<hbm>>
        %dma_wait3A_234 = arith.constant 96 : i32
        %dma_wait3A_235 = arith.constant 0 : i32
        %dma_wait3A_236 = tpu.memref_slice %arg7[%dma_wait3A_234, %dma_wait3A_235] : memref<128x128xf32, #tpu.memory_space<vmem>> -> memref<32x128xf32, #tpu.memory_space<vmem>>
        tpu.wait_dma2 semaphore(%run_scoped3A : memref<!tpu.dma_semaphore, #tpu.memory_space<semaphore_mem>>) src(%dma_wait3A_236 : memref<32x128xf32, #tpu.memory_space<vmem>>) dst(%dma_wait3A_233 : memref<32x128xf32, #tpu.memory_space<hbm>>)
        tpu.yield
      }) : () -> ()
    }
    %scan3A_7 = arith.constant 16 : i32
    return
  }
}

module attributes {stable_mosaic.version = 14 : i64} {
  func.func @_idx_body(%arg0: i32, %arg1: memref<512x26xi32, #tpu.memory_space<vmem>>, %arg2: memref<128x128xi32, #tpu.memory_space<vmem>>) attributes {dimension_semantics = [#tpu.dimension_semantics<arbitrary>], iteration_bounds = array<i64: 32>, scalar_prefetch = 0 : i64, scratch_operands = 0 : i64, tpu.core_type = #tpu.core_type<tc>, window_params = [{transform_indices = @transform_0, window_bounds = array<i64: 512, 26>}, {transform_indices = @transform_1, window_bounds = array<i64: 128, 128>}]} {
    %get3A = arith.constant 0 : index
    %get3A_0 = arith.constant 0 : index
    %get3A_1 = vector.load %arg1[%get3A, %get3A_0] : memref<512x26xi32, #tpu.memory_space<vmem>>, vector<512x26xi32>
    %iota3A = tpu.iota {dimensions = array<i32: 1>} : vector<512x26xi32>
    %mul3A = arith.constant 100000 : i32
    %mul3A_2 = vector.broadcast %mul3A : i32 to vector<512x26xi32>
    %mul3A_3 = arith.muli %mul3A_2, %iota3A : vector<512x26xi32>
    %add3A = arith.addi %get3A_1, %mul3A_3 : vector<512x26xi32>
    %mul3A_4 = arith.constant 512 : i32
    %mul3A_5 = arith.muli %arg0, %mul3A_4 : i32
    %iota3A_6 = tpu.iota {dimensions = array<i32: 0>} : vector<512x6xi32>
    %add3A_7 = vector.broadcast %mul3A_5 : i32 to vector<512x6xi32>
    %add3A_8 = arith.addi %add3A_7, %iota3A_6 : vector<512x6xi32>
    %iota3A_9 = tpu.iota {dimensions = array<i32: 1>} : vector<512x6xi32>
    %mul3A_10 = arith.constant 6 : i32
    %mul3A_11 = vector.broadcast %mul3A_10 : i32 to vector<512x6xi32>
    %mul3A_12 = arith.muli %add3A_8, %mul3A_11 : vector<512x6xi32>
    %add3A_13 = arith.addi %mul3A_12, %iota3A_9 : vector<512x6xi32>
    %concatenate3A = tpu.concatenate %add3A, %add3A_13 in 1 : vector<512x26xi32>, vector<512x6xi32> -> vector<512x32xi32>
    %reshape3A = vector.shape_cast %concatenate3A : vector<512x32xi32> to vector<128x4x32xi32>
    %slice3A = vector.extract_strided_slice %reshape3A {offsets = [0, 0, 0], sizes = [128, 1, 32], strides = [1, 1, 1]} : vector<128x4x32xi32> to vector<128x1x32xi32>
    %squeeze3A = vector.shape_cast %slice3A : vector<128x1x32xi32> to vector<128x32xi32>
    %slice3A_14 = vector.extract_strided_slice %reshape3A {offsets = [0, 1, 0], sizes = [128, 1, 32], strides = [1, 1, 1]} : vector<128x4x32xi32> to vector<128x1x32xi32>
    %squeeze3A_15 = vector.shape_cast %slice3A_14 : vector<128x1x32xi32> to vector<128x32xi32>
    %slice3A_16 = vector.extract_strided_slice %reshape3A {offsets = [0, 2, 0], sizes = [128, 1, 32], strides = [1, 1, 1]} : vector<128x4x32xi32> to vector<128x1x32xi32>
    %squeeze3A_17 = vector.shape_cast %slice3A_16 : vector<128x1x32xi32> to vector<128x32xi32>
    %slice3A_18 = vector.extract_strided_slice %reshape3A {offsets = [0, 3, 0], sizes = [128, 1, 32], strides = [1, 1, 1]} : vector<128x4x32xi32> to vector<128x1x32xi32>
    %squeeze3A_19 = vector.shape_cast %slice3A_18 : vector<128x1x32xi32> to vector<128x32xi32>
    %concatenate3A_20 = tpu.concatenate %squeeze3A, %squeeze3A_15, %squeeze3A_17, %squeeze3A_19 in 1 : vector<128x32xi32>, vector<128x32xi32>, vector<128x32xi32>, vector<128x32xi32> -> vector<128x128xi32>
    %swap3A = arith.constant 0 : index
    %swap3A_21 = arith.constant 0 : index
    %swap3A_22 = vector.load %arg2[%swap3A, %swap3A_21] : memref<128x128xi32, #tpu.memory_space<vmem>>, vector<128x128xi32>
    tpu.vector_store %arg2[%swap3A, %swap3A_21], %concatenate3A_20 {strides = array<i32>} : memref<128x128xi32, #tpu.memory_space<vmem>>, vector<128x128xi32>,
    return
  }
  func.func @transform_0(%arg0: i32) -> (i32, i32) {
    %c0_i32 = arith.constant 0 : i32
    %c0_i32_0 = arith.constant 0 : i32
    return %arg0, %c0_i32 : i32, i32
  }
  func.func @transform_1(%arg0: i32) -> (i32, i32) {
    %c0_i32 = arith.constant 0 : i32
    %c0_i32_0 = arith.constant 0 : i32
    return %arg0, %c0_i32 : i32, i32
  }
}

module attributes {stable_mosaic.version = 14 : i64} {
  func.func @_detile_body(%arg0: i32, %arg1: memref<16x16384xf32, #tpu.memory_space<vmem>>, %arg2: memref<2048x128xf32, #tpu.memory_space<vmem>>) attributes {dimension_semantics = [#tpu.dimension_semantics<arbitrary>], iteration_bounds = array<i64: 159>, scalar_prefetch = 0 : i64, scratch_operands = 0 : i64, tpu.core_type = #tpu.core_type<tc>, window_params = [{transform_indices = @transform_0, window_bounds = array<i64: 16, 16384>}, {transform_indices = @transform_1, window_bounds = array<i64: 2048, 128>}]} {
    %get3A = arith.constant 0 : index
    %get3A_0 = arith.constant 0 : index
    %get3A_1 = vector.load %arg1[%get3A, %get3A_0] : memref<16x16384xf32, #tpu.memory_space<vmem>>, vector<16x16384xf32>
    %transpose3A = tpu.transpose %get3A_1, [1, 0] : vector<16x16384xf32> -> vector<16384x16xf32>
    %reshape3A = vector.shape_cast %transpose3A : vector<16384x16xf32> to vector<2048x8x16xf32>
    %slice3A = vector.extract_strided_slice %reshape3A {offsets = [0, 0, 0], sizes = [2048, 1, 16], strides = [1, 1, 1]} : vector<2048x8x16xf32> to vector<2048x1x16xf32>
    %squeeze3A = vector.shape_cast %slice3A : vector<2048x1x16xf32> to vector<2048x16xf32>
    %slice3A_2 = vector.extract_strided_slice %reshape3A {offsets = [0, 1, 0], sizes = [2048, 1, 16], strides = [1, 1, 1]} : vector<2048x8x16xf32> to vector<2048x1x16xf32>
    %squeeze3A_3 = vector.shape_cast %slice3A_2 : vector<2048x1x16xf32> to vector<2048x16xf32>
    %slice3A_4 = vector.extract_strided_slice %reshape3A {offsets = [0, 2, 0], sizes = [2048, 1, 16], strides = [1, 1, 1]} : vector<2048x8x16xf32> to vector<2048x1x16xf32>
    %squeeze3A_5 = vector.shape_cast %slice3A_4 : vector<2048x1x16xf32> to vector<2048x16xf32>
    %slice3A_6 = vector.extract_strided_slice %reshape3A {offsets = [0, 3, 0], sizes = [2048, 1, 16], strides = [1, 1, 1]} : vector<2048x8x16xf32> to vector<2048x1x16xf32>
    %squeeze3A_7 = vector.shape_cast %slice3A_6 : vector<2048x1x16xf32> to vector<2048x16xf32>
    %slice3A_8 = vector.extract_strided_slice %reshape3A {offsets = [0, 4, 0], sizes = [2048, 1, 16], strides = [1, 1, 1]} : vector<2048x8x16xf32> to vector<2048x1x16xf32>
    %squeeze3A_9 = vector.shape_cast %slice3A_8 : vector<2048x1x16xf32> to vector<2048x16xf32>
    %slice3A_10 = vector.extract_strided_slice %reshape3A {offsets = [0, 5, 0], sizes = [2048, 1, 16], strides = [1, 1, 1]} : vector<2048x8x16xf32> to vector<2048x1x16xf32>
    %squeeze3A_11 = vector.shape_cast %slice3A_10 : vector<2048x1x16xf32> to vector<2048x16xf32>
    %slice3A_12 = vector.extract_strided_slice %reshape3A {offsets = [0, 6, 0], sizes = [2048, 1, 16], strides = [1, 1, 1]} : vector<2048x8x16xf32> to vector<2048x1x16xf32>
    %squeeze3A_13 = vector.shape_cast %slice3A_12 : vector<2048x1x16xf32> to vector<2048x16xf32>
    %slice3A_14 = vector.extract_strided_slice %reshape3A {offsets = [0, 7, 0], sizes = [2048, 1, 16], strides = [1, 1, 1]} : vector<2048x8x16xf32> to vector<2048x1x16xf32>
    %squeeze3A_15 = vector.shape_cast %slice3A_14 : vector<2048x1x16xf32> to vector<2048x16xf32>
    %concatenate3A = tpu.concatenate %squeeze3A, %squeeze3A_3, %squeeze3A_5, %squeeze3A_7, %squeeze3A_9, %squeeze3A_11, %squeeze3A_13, %squeeze3A_15 in 1 : vector<2048x16xf32>, vector<2048x16xf32>, vector<2048x16xf32>, vector<2048x16xf32>, vector<2048x16xf32>, vector<2048x16xf32>, vector<2048x16xf32>, vector<2048x16xf32> -> vector<2048x128xf32>
    %swap3A = arith.constant 0 : index
    %swap3A_16 = arith.constant 0 : index
    %swap3A_17 = vector.load %arg2[%swap3A, %swap3A_16] : memref<2048x128xf32, #tpu.memory_space<vmem>>, vector<2048x128xf32>
    tpu.vector_store %arg2[%swap3A, %swap3A_16], %concatenate3A {strides = array<i32>} : memref<2048x128xf32, #tpu.memory_space<vmem>>, vector<2048x128xf32>,
    return
  }
  func.func @transform_0(%arg0: i32) -> (i32, i32) {
    %c0_i32 = arith.constant 0 : i32
    %c0_i32_0 = arith.constant 0 : i32
    return %c0_i32, %arg0 : i32, i32
  }
  func.func @transform_1(%arg0: i32) -> (i32, i32) {
    %c0_i32 = arith.constant 0 : i32
    %c0_i32_0 = arith.constant 0 : i32
    return %arg0, %c0_i32 : i32, i32
  }
}

module attributes {stable_mosaic.version = 14 : i64} {
  func.func @_k1_body(%arg0: i32, %arg1: memref<2048x128xf32, #tpu.memory_space<vmem>>, %arg2: memref<512x256xf32, #tpu.memory_space<vmem>>, %arg3: memref<1x256xf32, #tpu.memory_space<vmem>>, %arg4: memref<512x26xi32, #tpu.memory_space<vmem>>, %arg5: memref<512x13xf32, #tpu.memory_space<vmem>>, %arg6: memref<26x1xf32, #tpu.memory_space<vmem>>, %arg7: memref<13x1xf32, #tpu.memory_space<vmem>>, %arg8: memref<1x1xf32, #tpu.memory_space<vmem>>, %arg9: memref<512x256xf32, #tpu.memory_space<vmem>>, %arg10: memref<1x256xf32, #tpu.memory_space<vmem>>, %arg11: memref<1x256xf32, #tpu.memory_space<vmem>>, %arg12: memref<512x1xf32, #tpu.memory_space<vmem>>) attributes {dimension_semantics = [#tpu.dimension_semantics<arbitrary>], iteration_bounds = array<i64: 32>, scalar_prefetch = 0 : i64, scratch_operands = 0 : i64, tpu.core_type = #tpu.core_type<tc>, window_params = [{transform_indices = @transform_0, window_bounds = array<i64: 2048, 128>}, {pipeline_mode = #tpu.pipeline_mode<synchronous>, transform_indices = @transform_1, window_bounds = array<i64: 512, 256>}, {pipeline_mode = #tpu.pipeline_mode<synchronous>, transform_indices = @transform_2, window_bounds = array<i64: 1, 256>}, {transform_indices = @transform_3, window_bounds = array<i64: 512, 26>}, {transform_indices = @transform_4, window_bounds = array<i64: 512, 13>}, {pipeline_mode = #tpu.pipeline_mode<synchronous>, transform_indices = @transform_5, window_bounds = array<i64: 26, 1>}, {pipeline_mode = #tpu.pipeline_mode<synchronous>, transform_indices = @transform_6, window_bounds = array<i64: 13, 1>}, {pipeline_mode = #tpu.pipeline_mode<synchronous>, transform_indices = @transform_7, window_bounds = array<i64: 1, 1>}, {transform_indices = @transform_8, window_bounds = array<i64: 512, 256>}, {pipeline_mode = #tpu.pipeline_mode<synchronous>, transform_indices = @transform_9, window_bounds = array<i64: 1, 256>}, {pipeline_mode = #tpu.pipeline_mode<synchronous>, transform_indices = @transform_10, window_bounds = array<i64: 1, 256>}, {transform_indices = @transform_11, window_bounds = array<i64: 512, 1>}]} {
    %get3A = arith.constant 0 : index
    %get3A_0 = arith.constant 0 : index
    %get3A_1 = vector.load %arg3[%get3A, %get3A_0] : memref<1x256xf32, #tpu.memory_space<vmem>>, vector<1x256xf32>
    %get3A_2 = arith.constant 0 : index
    %get3A_3 = arith.constant 0 : index
    %get3A_4 = vector.load %arg1[%get3A_2, %get3A_3] : memref<2048x128xf32, #tpu.memory_space<vmem>>, vector<512x128xf32>
    %get3A_5 = arith.constant 0 : index
    %get3A_6 = arith.constant 0 : index
    %get3A_7 = vector.load %arg2[%get3A_5, %get3A_6] : memref<512x256xf32, #tpu.memory_space<vmem>>, vector<128x256xf32>
    %dot_general3A = arith.constant dense<0.000000e+00> : vector<512x256xf32>
    %dot_general3A_8 = tpu.matmul %get3A_4, %get3A_7, %dot_general3A {dimension_numbers = #tpu.dot_dimension_numbers<[1], [0], [0], [1], [0, 0, 1, 1], [], []>, transpose_lhs_hint = false} : vector<512x128xf32>, vector<128x256xf32>, vector<512x256xf32> -> vector<512x256xf32>
    %add3A = vector.broadcast %get3A_1 : vector<1x256xf32> to vector<512x256xf32>
    %add3A_9 = arith.addf %add3A, %dot_general3A_8 : vector<512x256xf32>
    %get3A_10 = arith.constant 512 : index
    %get3A_11 = arith.constant 0 : index
    %get3A_12 = vector.load %arg1[%get3A_10, %get3A_11] : memref<2048x128xf32, #tpu.memory_space<vmem>>, vector<512x128xf32>
    %get3A_13 = arith.constant 128 : index
    %get3A_14 = arith.constant 0 : index
    %get3A_15 = vector.load %arg2[%get3A_13, %get3A_14] : memref<512x256xf32, #tpu.memory_space<vmem>>, vector<128x256xf32>
    %dot_general3A_16 = arith.constant dense<0.000000e+00> : vector<512x256xf32>
    %dot_general3A_17 = tpu.matmul %get3A_12, %get3A_15, %dot_general3A_16 {dimension_numbers = #tpu.dot_dimension_numbers<[1], [0], [0], [1], [0, 0, 1, 1], [], []>, transpose_lhs_hint = false} : vector<512x128xf32>, vector<128x256xf32>, vector<512x256xf32> -> vector<512x256xf32>
    %add3A_18 = arith.addf %add3A_9, %dot_general3A_17 : vector<512x256xf32>
    %get3A_19 = arith.constant 1024 : index
    %get3A_20 = arith.constant 0 : index
    %get3A_21 = vector.load %arg1[%get3A_19, %get3A_20] : memref<2048x128xf32, #tpu.memory_space<vmem>>, vector<512x128xf32>
    %get3A_22 = arith.constant 256 : index
    %get3A_23 = arith.constant 0 : index
    %get3A_24 = vector.load %arg2[%get3A_22, %get3A_23] : memref<512x256xf32, #tpu.memory_space<vmem>>, vector<128x256xf32>
    %dot_general3A_25 = arith.constant dense<0.000000e+00> : vector<512x256xf32>
    %dot_general3A_26 = tpu.matmul %get3A_21, %get3A_24, %dot_general3A_25 {dimension_numbers = #tpu.dot_dimension_numbers<[1], [0], [0], [1], [0, 0, 1, 1], [], []>, transpose_lhs_hint = false} : vector<512x128xf32>, vector<128x256xf32>, vector<512x256xf32> -> vector<512x256xf32>
    %add3A_27 = arith.addf %add3A_18, %dot_general3A_26 : vector<512x256xf32>
    %get3A_28 = arith.constant 1536 : index
    %get3A_29 = arith.constant 0 : index
    %get3A_30 = vector.load %arg1[%get3A_28, %get3A_29] : memref<2048x128xf32, #tpu.memory_space<vmem>>, vector<512x128xf32>
    %get3A_31 = arith.constant 384 : index
    %get3A_32 = arith.constant 0 : index
    %get3A_33 = vector.load %arg2[%get3A_31, %get3A_32] : memref<512x256xf32, #tpu.memory_space<vmem>>, vector<128x256xf32>
    %dot_general3A_34 = arith.constant dense<0.000000e+00> : vector<512x256xf32>
    %dot_general3A_35 = tpu.matmul %get3A_30, %get3A_33, %dot_general3A_34 {dimension_numbers = #tpu.dot_dimension_numbers<[1], [0], [0], [1], [0, 0, 1, 1], [], []>, transpose_lhs_hint = false} : vector<512x128xf32>, vector<128x256xf32>, vector<512x256xf32> -> vector<512x256xf32>
    %add3A_36 = arith.addf %add3A_27, %dot_general3A_35 : vector<512x256xf32>
    %swap3A = arith.constant 0 : index
    %swap3A_37 = arith.constant 0 : index
    %swap3A_38 = vector.load %arg9[%swap3A, %swap3A_37] : memref<512x256xf32, #tpu.memory_space<vmem>>, vector<512x256xf32>
    tpu.vector_store %arg9[%swap3A, %swap3A_37], %add3A_36 {strides = array<i32>} : memref<512x256xf32, #tpu.memory_space<vmem>>, vector<512x256xf32>,
    %reduce_sum3A = arith.constant dense<0.000000e+00> : vector<256xf32>
    %reduce_sum3A_39 = vector.multi_reduction <add>, %add3A_36, %reduce_sum3A [0] : vector<512x256xf32> to vector<256xf32>
    %broadcast_in_dim3A = vector.shape_cast %reduce_sum3A_39 : vector<256xf32> to vector<1x256xf32>
    %mul3A = arith.mulf %add3A_36, %add3A_36 : vector<512x256xf32>
    %reduce_sum3A_40 = arith.constant dense<0.000000e+00> : vector<256xf32>
    %reduce_sum3A_41 = vector.multi_reduction <add>, %mul3A, %reduce_sum3A_40 [0] : vector<512x256xf32> to vector<256xf32>
    %broadcast_in_dim3A_42 = vector.shape_cast %reduce_sum3A_41 : vector<256xf32> to vector<1x256xf32>
    %eq3A = arith.constant 0 : i32
    %eq3A_43 = arith.cmpi eq, %arg0, %eq3A : i32
    %convert_element_type3A = arith.extui %eq3A_43 : i1 to i32
    %cond3A = arith.constant 0 : i32
    %cond3A_44 = arith.cmpi ne, %convert_element_type3A, %cond3A : i32
    scf.if %cond3A_44 {
      %swap3A_78 = arith.constant 0 : index
      %swap3A_79 = arith.constant 0 : index
      %swap3A_80 = vector.load %arg10[%swap3A_78, %swap3A_79] : memref<1x256xf32, #tpu.memory_space<vmem>>, vector<1x256xf32>
      tpu.vector_store %arg10[%swap3A_78, %swap3A_79], %broadcast_in_dim3A {strides = array<i32>} : memref<1x256xf32, #tpu.memory_space<vmem>>, vector<1x256xf32>,
      %swap3A_81 = arith.constant 0 : index
      %swap3A_82 = arith.constant 0 : index
      %swap3A_83 = vector.load %arg11[%swap3A_81, %swap3A_82] : memref<1x256xf32, #tpu.memory_space<vmem>>, vector<1x256xf32>
      tpu.vector_store %arg11[%swap3A_81, %swap3A_82], %broadcast_in_dim3A_42 {strides = array<i32>} : memref<1x256xf32, #tpu.memory_space<vmem>>, vector<1x256xf32>,
    } else {
    }
    %gt3A = arith.constant 0 : i32
    %gt3A_45 = arith.cmpi sgt, %arg0, %gt3A : i32
    %convert_element_type3A_46 = arith.extui %gt3A_45 : i1 to i32
    %cond3A_47 = arith.constant 0 : i32
    %cond3A_48 = arith.cmpi ne, %convert_element_type3A_46, %cond3A_47 : i32
    scf.if %cond3A_48 {
      %get3A_78 = arith.constant 0 : index
      %get3A_79 = arith.constant 0 : index
      %get3A_80 = vector.load %arg10[%get3A_78, %get3A_79] : memref<1x256xf32, #tpu.memory_space<vmem>>, vector<1x256xf32>
      %add3A_81 = arith.addf %get3A_80, %broadcast_in_dim3A : vector<1x256xf32>
      %swap3A_82 = arith.constant 0 : index
      %swap3A_83 = arith.constant 0 : index
      %swap3A_84 = vector.load %arg10[%swap3A_82, %swap3A_83] : memref<1x256xf32, #tpu.memory_space<vmem>>, vector<1x256xf32>
      tpu.vector_store %arg10[%swap3A_82, %swap3A_83], %add3A_81 {strides = array<i32>} : memref<1x256xf32, #tpu.memory_space<vmem>>, vector<1x256xf32>,
      %get3A_85 = arith.constant 0 : index
      %get3A_86 = arith.constant 0 : index
      %get3A_87 = vector.load %arg11[%get3A_85, %get3A_86] : memref<1x256xf32, #tpu.memory_space<vmem>>, vector<1x256xf32>
      %add3A_88 = arith.addf %get3A_87, %broadcast_in_dim3A_42 : vector<1x256xf32>
      %swap3A_89 = arith.constant 0 : index
      %swap3A_90 = arith.constant 0 : index
      %swap3A_91 = vector.load %arg11[%swap3A_89, %swap3A_90] : memref<1x256xf32, #tpu.memory_space<vmem>>, vector<1x256xf32>
      tpu.vector_store %arg11[%swap3A_89, %swap3A_90], %add3A_88 {strides = array<i32>} : memref<1x256xf32, #tpu.memory_space<vmem>>, vector<1x256xf32>,
    } else {
    }
    %get3A_49 = arith.constant 0 : index
    %get3A_50 = arith.constant 0 : index
    %get3A_51 = vector.load %arg4[%get3A_49, %get3A_50] : memref<512x26xi32, #tpu.memory_space<vmem>>, vector<512x26xi32>
    %convert_element_type3A_52 = arith.sitofp %get3A_51 : vector<512x26xi32> to vector<512x26xf32>
    %mul3A_53 = arith.constant 9.99999974E-6 : f32
    %mul3A_54 = vector.broadcast %mul3A_53 : f32 to vector<512x26xf32>
    %mul3A_55 = arith.mulf %convert_element_type3A_52, %mul3A_54 : vector<512x26xf32>
    %get3A_56 = arith.constant 0 : index
    %get3A_57 = arith.constant 0 : index
    %get3A_58 = vector.load %arg6[%get3A_56, %get3A_57] : memref<26x1xf32, #tpu.memory_space<vmem>>, vector<26x1xf32>
    %dot_general3A_59 = arith.constant dense<0.000000e+00> : vector<512x1xf32>
    %dot_general3A_60 = tpu.matmul %mul3A_55, %get3A_58, %dot_general3A_59 {dimension_numbers = #tpu.dot_dimension_numbers<[1], [0], [0], [1], [0, 0, 1, 1], [], []>, transpose_lhs_hint = false} : vector<512x26xf32>, vector<26x1xf32>, vector<512x1xf32> -> vector<512x1xf32>
    %get3A_61 = arith.constant 0 : index
    %get3A_62 = arith.constant 0 : index
    %get3A_63 = vector.load %arg5[%get3A_61, %get3A_62] : memref<512x13xf32, #tpu.memory_space<vmem>>, vector<512x13xf32>
    %get3A_64 = arith.constant 0 : index
    %get3A_65 = arith.constant 0 : index
    %get3A_66 = vector.load %arg7[%get3A_64, %get3A_65] : memref<13x1xf32, #tpu.memory_space<vmem>>, vector<13x1xf32>
    %dot_general3A_67 = arith.constant dense<0.000000e+00> : vector<512x1xf32>
    %dot_general3A_68 = tpu.matmul %get3A_63, %get3A_66, %dot_general3A_67 {dimension_numbers = #tpu.dot_dimension_numbers<[1], [0], [0], [1], [0, 0, 1, 1], [], []>, transpose_lhs_hint = false} : vector<512x13xf32>, vector<13x1xf32>, vector<512x1xf32> -> vector<512x1xf32>
    %add3A_69 = arith.addf %dot_general3A_60, %dot_general3A_68 : vector<512x1xf32>
    %get3A_70 = arith.constant 0 : index
    %get3A_71 = arith.constant 0 : index
    %get3A_72 = vector.load %arg8[%get3A_70, %get3A_71] : memref<1x1xf32, #tpu.memory_space<vmem>>, vector<1x1xf32>
    %add3A_73 = vector.broadcast %get3A_72 : vector<1x1xf32> to vector<512x1xf32>
    %add3A_74 = arith.addf %add3A_69, %add3A_73 : vector<512x1xf32>
    %swap3A_75 = arith.constant 0 : index
    %swap3A_76 = arith.constant 0 : index
    %swap3A_77 = vector.load %arg12[%swap3A_75, %swap3A_76] : memref<512x1xf32, #tpu.memory_space<vmem>>, vector<512x1xf32>
    tpu.vector_store %arg12[%swap3A_75, %swap3A_76], %add3A_74 {strides = array<i32>} : memref<512x1xf32, #tpu.memory_space<vmem>>, vector<512x1xf32>,
    return
  }
  func.func @transform_0(%arg0: i32) -> (i32, i32) {
    %c0_i32 = arith.constant 0 : i32
    %c0_i32_0 = arith.constant 0 : i32
    return %arg0, %c0_i32 : i32, i32
  }
  func.func @transform_1(%arg0: i32) -> (i32, i32) {
    %c0_i32 = arith.constant 0 : i32
    %c0_i32_0 = arith.constant 0 : i32
    %c0_i32_1 = arith.constant 0 : i32
    return %c0_i32, %c0_i32_0 : i32, i32
  }
  func.func @transform_2(%arg0: i32) -> (i32, i32) {
    %c0_i32 = arith.constant 0 : i32
    %c0_i32_0 = arith.constant 0 : i32
    %c0_i32_1 = arith.constant 0 : i32
    return %c0_i32, %c0_i32_0 : i32, i32
  }
  func.func @transform_3(%arg0: i32) -> (i32, i32) {
    %c0_i32 = arith.constant 0 : i32
    %c0_i32_0 = arith.constant 0 : i32
    return %arg0, %c0_i32 : i32, i32
  }
  func.func @transform_4(%arg0: i32) -> (i32, i32) {
    %c0_i32 = arith.constant 0 : i32
    %c0_i32_0 = arith.constant 0 : i32
    return %arg0, %c0_i32 : i32, i32
  }
  func.func @transform_5(%arg0: i32) -> (i32, i32) {
    %c0_i32 = arith.constant 0 : i32
    %c0_i32_0 = arith.constant 0 : i32
    %c0_i32_1 = arith.constant 0 : i32
    return %c0_i32, %c0_i32_0 : i32, i32
  }
  func.func @transform_6(%arg0: i32) -> (i32, i32) {
    %c0_i32 = arith.constant 0 : i32
    %c0_i32_0 = arith.constant 0 : i32
    %c0_i32_1 = arith.constant 0 : i32
    return %c0_i32, %c0_i32_0 : i32, i32
  }
  func.func @transform_7(%arg0: i32) -> (i32, i32) {
    %c0_i32 = arith.constant 0 : i32
    %c0_i32_0 = arith.constant 0 : i32
    %c0_i32_1 = arith.constant 0 : i32
    return %c0_i32, %c0_i32_0 : i32, i32
  }
  func.func @transform_8(%arg0: i32) -> (i32, i32) {
    %c0_i32 = arith.constant 0 : i32
    %c0_i32_0 = arith.constant 0 : i32
    return %arg0, %c0_i32 : i32, i32
  }
  func.func @transform_9(%arg0: i32) -> (i32, i32) {
    %c0_i32 = arith.constant 0 : i32
    %c0_i32_0 = arith.constant 0 : i32
    %c0_i32_1 = arith.constant 0 : i32
    return %c0_i32, %c0_i32_0 : i32, i32
  }
  func.func @transform_10(%arg0: i32) -> (i32, i32) {
    %c0_i32 = arith.constant 0 : i32
    %c0_i32_0 = arith.constant 0 : i32
    %c0_i32_1 = arith.constant 0 : i32
    return %c0_i32, %c0_i32_0 : i32, i32
  }
  func.func @transform_11(%arg0: i32) -> (i32, i32) {
    %c0_i32 = arith.constant 0 : i32
    %c0_i32_0 = arith.constant 0 : i32
    return %arg0, %c0_i32 : i32, i32
  }
}

module attributes {stable_mosaic.version = 14 : i64} {
  func.func @_k2_body(%arg0: i32, %arg1: memref<1024x256xf32, #tpu.memory_space<vmem>>, %arg2: memref<1x256xf32, #tpu.memory_space<vmem>>, %arg3: memref<1x256xf32, #tpu.memory_space<vmem>>, %arg4: memref<1x256xf32, #tpu.memory_space<vmem>>, %arg5: memref<1x256xf32, #tpu.memory_space<vmem>>, %arg6: memref<256x128xf32, #tpu.memory_space<vmem>>, %arg7: memref<1x128xf32, #tpu.memory_space<vmem>>, %arg8: memref<1024x128xf32, #tpu.memory_space<vmem>>, %arg9: memref<1x128xf32, #tpu.memory_space<vmem>>, %arg10: memref<1x128xf32, #tpu.memory_space<vmem>>) attributes {dimension_semantics = [#tpu.dimension_semantics<arbitrary>], iteration_bounds = array<i64: 16>, scalar_prefetch = 0 : i64, scratch_operands = 0 : i64, tpu.core_type = #tpu.core_type<tc>, window_params = [{transform_indices = @transform_0, window_bounds = array<i64: 1024, 256>}, {pipeline_mode = #tpu.pipeline_mode<synchronous>, transform_indices = @transform_1, window_bounds = array<i64: 1, 256>}, {pipeline_mode = #tpu.pipeline_mode<synchronous>, transform_indices = @transform_2, window_bounds = array<i64: 1, 256>}, {pipeline_mode = #tpu.pipeline_mode<synchronous>, transform_indices = @transform_3, window_bounds = array<i64: 1, 256>}, {pipeline_mode = #tpu.pipeline_mode<synchronous>, transform_indices = @transform_4, window_bounds = array<i64: 1, 256>}, {pipeline_mode = #tpu.pipeline_mode<synchronous>, transform_indices = @transform_5, window_bounds = array<i64: 256, 128>}, {pipeline_mode = #tpu.pipeline_mode<synchronous>, transform_indices = @transform_6, window_bounds = array<i64: 1, 128>}, {transform_indices = @transform_7, window_bounds = array<i64: 1024, 128>}, {pipeline_mode = #tpu.pipeline_mode<synchronous>, transform_indices = @transform_8, window_bounds = array<i64: 1, 128>}, {pipeline_mode = #tpu.pipeline_mode<synchronous>, transform_indices = @transform_9, window_bounds = array<i64: 1, 128>}]} {
    %get3A = arith.constant 0 : index
    %get3A_0 = arith.constant 0 : index
    %get3A_1 = vector.load %arg2[%get3A, %get3A_0] : memref<1x256xf32, #tpu.memory_space<vmem>>, vector<1x256xf32>
    %mul3A = arith.constant 6.10351563E-5 : f32
    %mul3A_2 = vector.broadcast %mul3A : f32 to vector<1x256xf32>
    %mul3A_3 = arith.mulf %get3A_1, %mul3A_2 : vector<1x256xf32>
    %get3A_4 = arith.constant 0 : index
    %get3A_5 = arith.constant 0 : index
    %get3A_6 = vector.load %arg3[%get3A_4, %get3A_5] : memref<1x256xf32, #tpu.memory_space<vmem>>, vector<1x256xf32>
    %mul3A_7 = arith.constant 6.10351563E-5 : f32
    %mul3A_8 = vector.broadcast %mul3A_7 : f32 to vector<1x256xf32>
    %mul3A_9 = arith.mulf %get3A_6, %mul3A_8 : vector<1x256xf32>
    %mul3A_10 = arith.mulf %mul3A_3, %mul3A_3 : vector<1x256xf32>
    %sub3A = arith.subf %mul3A_9, %mul3A_10 : vector<1x256xf32>
    %get3A_11 = arith.constant 0 : index
    %get3A_12 = arith.constant 0 : index
    %get3A_13 = vector.load %arg4[%get3A_11, %get3A_12] : memref<1x256xf32, #tpu.memory_space<vmem>>, vector<1x256xf32>
    %add3A = arith.constant 9.99999974E-6 : f32
    %add3A_14 = vector.broadcast %add3A : f32 to vector<1x256xf32>
    %add3A_15 = arith.addf %sub3A, %add3A_14 : vector<1x256xf32>
    %rsqrt3A = math.rsqrt %add3A_15 : vector<1x256xf32>
    %mul3A_16 = arith.mulf %get3A_13, %rsqrt3A : vector<1x256xf32>
    %get3A_17 = arith.constant 0 : index
    %get3A_18 = arith.constant 0 : index
    %get3A_19 = vector.load %arg5[%get3A_17, %get3A_18] : memref<1x256xf32, #tpu.memory_space<vmem>>, vector<1x256xf32>
    %mul3A_20 = arith.mulf %mul3A_3, %mul3A_16 : vector<1x256xf32>
    %sub3A_21 = arith.subf %get3A_19, %mul3A_20 : vector<1x256xf32>
    %get3A_22 = arith.constant 0 : index
    %get3A_23 = arith.constant 0 : index
    %get3A_24 = vector.load %arg1[%get3A_22, %get3A_23] : memref<1024x256xf32, #tpu.memory_space<vmem>>, vector<1024x256xf32>
    %mul3A_25 = vector.broadcast %mul3A_16 : vector<1x256xf32> to vector<1024x256xf32>
    %mul3A_26 = arith.mulf %get3A_24, %mul3A_25 : vector<1024x256xf32>
    %add3A_27 = vector.broadcast %sub3A_21 : vector<1x256xf32> to vector<1024x256xf32>
    %add3A_28 = arith.addf %mul3A_26, %add3A_27 : vector<1024x256xf32>
    %max3A = arith.constant 0.000000e+00 : f32
    %max3A_29 = vector.broadcast %max3A : f32 to vector<1024x256xf32>
    %max3A_30 = arith.maximumf %add3A_28, %max3A_29 : vector<1024x256xf32>
    %get3A_31 = arith.constant 0 : index
    %get3A_32 = arith.constant 0 : index
    %get3A_33 = vector.load %arg6[%get3A_31, %get3A_32] : memref<256x128xf32, #tpu.memory_space<vmem>>, vector<256x128xf32>
    %dot_general3A = arith.constant dense<0.000000e+00> : vector<1024x128xf32>
    %dot_general3A_34 = tpu.matmul %max3A_30, %get3A_33, %dot_general3A {dimension_numbers = #tpu.dot_dimension_numbers<[1], [0], [0], [1], [0, 0, 1, 1], [], []>, transpose_lhs_hint = false} : vector<1024x256xf32>, vector<256x128xf32>, vector<1024x128xf32> -> vector<1024x128xf32>
    %get3A_35 = arith.constant 0 : index
    %get3A_36 = arith.constant 0 : index
    %get3A_37 = vector.load %arg7[%get3A_35, %get3A_36] : memref<1x128xf32, #tpu.memory_space<vmem>>, vector<1x128xf32>
    %add3A_38 = vector.broadcast %get3A_37 : vector<1x128xf32> to vector<1024x128xf32>
    %add3A_39 = arith.addf %dot_general3A_34, %add3A_38 : vector<1024x128xf32>
    %swap3A = arith.constant 0 : index
    %swap3A_40 = arith.constant 0 : index
    %swap3A_41 = vector.load %arg8[%swap3A, %swap3A_40] : memref<1024x128xf32, #tpu.memory_space<vmem>>, vector<1024x128xf32>
    tpu.vector_store %arg8[%swap3A, %swap3A_40], %add3A_39 {strides = array<i32>} : memref<1024x128xf32, #tpu.memory_space<vmem>>, vector<1024x128xf32>,
    %reduce_sum3A = arith.constant dense<0.000000e+00> : vector<128xf32>
    %reduce_sum3A_42 = vector.multi_reduction <add>, %add3A_39, %reduce_sum3A [0] : vector<1024x128xf32> to vector<128xf32>
    %broadcast_in_dim3A = vector.shape_cast %reduce_sum3A_42 : vector<128xf32> to vector<1x128xf32>
    %mul3A_43 = arith.mulf %add3A_39, %add3A_39 : vector<1024x128xf32>
    %reduce_sum3A_44 = arith.constant dense<0.000000e+00> : vector<128xf32>
    %reduce_sum3A_45 = vector.multi_reduction <add>, %mul3A_43, %reduce_sum3A_44 [0] : vector<1024x128xf32> to vector<128xf32>
    %broadcast_in_dim3A_46 = vector.shape_cast %reduce_sum3A_45 : vector<128xf32> to vector<1x128xf32>
    %eq3A = arith.constant 0 : i32
    %eq3A_47 = arith.cmpi eq, %arg0, %eq3A : i32
    %convert_element_type3A = arith.extui %eq3A_47 : i1 to i32
    %cond3A = arith.constant 0 : i32
    %cond3A_48 = arith.cmpi ne, %convert_element_type3A, %cond3A : i32
    scf.if %cond3A_48 {
      %swap3A_53 = arith.constant 0 : index
      %swap3A_54 = arith.constant 0 : index
      %swap3A_55 = vector.load %arg9[%swap3A_53, %swap3A_54] : memref<1x128xf32, #tpu.memory_space<vmem>>, vector<1x128xf32>
      tpu.vector_store %arg9[%swap3A_53, %swap3A_54], %broadcast_in_dim3A {strides = array<i32>} : memref<1x128xf32, #tpu.memory_space<vmem>>, vector<1x128xf32>,
      %swap3A_56 = arith.constant 0 : index
      %swap3A_57 = arith.constant 0 : index
      %swap3A_58 = vector.load %arg10[%swap3A_56, %swap3A_57] : memref<1x128xf32, #tpu.memory_space<vmem>>, vector<1x128xf32>
      tpu.vector_store %arg10[%swap3A_56, %swap3A_57], %broadcast_in_dim3A_46 {strides = array<i32>} : memref<1x128xf32, #tpu.memory_space<vmem>>, vector<1x128xf32>,
    } else {
    }
    %gt3A = arith.constant 0 : i32
    %gt3A_49 = arith.cmpi sgt, %arg0, %gt3A : i32
    %convert_element_type3A_50 = arith.extui %gt3A_49 : i1 to i32
    %cond3A_51 = arith.constant 0 : i32
    %cond3A_52 = arith.cmpi ne, %convert_element_type3A_50, %cond3A_51 : i32
    scf.if %cond3A_52 {
      %get3A_53 = arith.constant 0 : index
      %get3A_54 = arith.constant 0 : index
      %get3A_55 = vector.load %arg9[%get3A_53, %get3A_54] : memref<1x128xf32, #tpu.memory_space<vmem>>, vector<1x128xf32>
      %add3A_56 = arith.addf %get3A_55, %broadcast_in_dim3A : vector<1x128xf32>
      %swap3A_57 = arith.constant 0 : index
      %swap3A_58 = arith.constant 0 : index
      %swap3A_59 = vector.load %arg9[%swap3A_57, %swap3A_58] : memref<1x128xf32, #tpu.memory_space<vmem>>, vector<1x128xf32>
      tpu.vector_store %arg9[%swap3A_57, %swap3A_58], %add3A_56 {strides = array<i32>} : memref<1x128xf32, #tpu.memory_space<vmem>>, vector<1x128xf32>,
      %get3A_60 = arith.constant 0 : index
      %get3A_61 = arith.constant 0 : index
      %get3A_62 = vector.load %arg10[%get3A_60, %get3A_61] : memref<1x128xf32, #tpu.memory_space<vmem>>, vector<1x128xf32>
      %add3A_63 = arith.addf %get3A_62, %broadcast_in_dim3A_46 : vector<1x128xf32>
      %swap3A_64 = arith.constant 0 : index
      %swap3A_65 = arith.constant 0 : index
      %swap3A_66 = vector.load %arg10[%swap3A_64, %swap3A_65] : memref<1x128xf32, #tpu.memory_space<vmem>>, vector<1x128xf32>
      tpu.vector_store %arg10[%swap3A_64, %swap3A_65], %add3A_63 {strides = array<i32>} : memref<1x128xf32, #tpu.memory_space<vmem>>, vector<1x128xf32>,
    } else {
    }
    return
  }
  func.func @transform_0(%arg0: i32) -> (i32, i32) {
    %c0_i32 = arith.constant 0 : i32
    %c0_i32_0 = arith.constant 0 : i32
    return %arg0, %c0_i32 : i32, i32
  }
  func.func @transform_1(%arg0: i32) -> (i32, i32) {
    %c0_i32 = arith.constant 0 : i32
    %c0_i32_0 = arith.constant 0 : i32
    %c0_i32_1 = arith.constant 0 : i32
    return %c0_i32, %c0_i32_0 : i32, i32
  }
  func.func @transform_2(%arg0: i32) -> (i32, i32) {
    %c0_i32 = arith.constant 0 : i32
    %c0_i32_0 = arith.constant 0 : i32
    %c0_i32_1 = arith.constant 0 : i32
    return %c0_i32, %c0_i32_0 : i32, i32
  }
  func.func @transform_3(%arg0: i32) -> (i32, i32) {
    %c0_i32 = arith.constant 0 : i32
    %c0_i32_0 = arith.constant 0 : i32
    %c0_i32_1 = arith.constant 0 : i32
    return %c0_i32, %c0_i32_0 : i32, i32
  }
  func.func @transform_4(%arg0: i32) -> (i32, i32) {
    %c0_i32 = arith.constant 0 : i32
    %c0_i32_0 = arith.constant 0 : i32
    %c0_i32_1 = arith.constant 0 : i32
    return %c0_i32, %c0_i32_0 : i32, i32
  }
  func.func @transform_5(%arg0: i32) -> (i32, i32) {
    %c0_i32 = arith.constant 0 : i32
    %c0_i32_0 = arith.constant 0 : i32
    %c0_i32_1 = arith.constant 0 : i32
    return %c0_i32, %c0_i32_0 : i32, i32
  }
  func.func @transform_6(%arg0: i32) -> (i32, i32) {
    %c0_i32 = arith.constant 0 : i32
    %c0_i32_0 = arith.constant 0 : i32
    %c0_i32_1 = arith.constant 0 : i32
    return %c0_i32, %c0_i32_0 : i32, i32
  }
  func.func @transform_7(%arg0: i32) -> (i32, i32) {
    %c0_i32 = arith.constant 0 : i32
    %c0_i32_0 = arith.constant 0 : i32
    return %arg0, %c0_i32 : i32, i32
  }
  func.func @transform_8(%arg0: i32) -> (i32, i32) {
    %c0_i32 = arith.constant 0 : i32
    %c0_i32_0 = arith.constant 0 : i32
    %c0_i32_1 = arith.constant 0 : i32
    return %c0_i32, %c0_i32_0 : i32, i32
  }
  func.func @transform_9(%arg0: i32) -> (i32, i32) {
    %c0_i32 = arith.constant 0 : i32
    %c0_i32_0 = arith.constant 0 : i32
    %c0_i32_1 = arith.constant 0 : i32
    return %c0_i32, %c0_i32_0 : i32, i32
  }
}

module attributes {stable_mosaic.version = 14 : i64} {
  func.func @_k3_body(%arg0: i32, %arg1: memref<1024x128xf32, #tpu.memory_space<vmem>>, %arg2: memref<1x128xf32, #tpu.memory_space<vmem>>, %arg3: memref<1x128xf32, #tpu.memory_space<vmem>>, %arg4: memref<1x128xf32, #tpu.memory_space<vmem>>, %arg5: memref<1x128xf32, #tpu.memory_space<vmem>>, %arg6: memref<128x1xf32, #tpu.memory_space<vmem>>, %arg7: memref<1x1xf32, #tpu.memory_space<vmem>>, %arg8: memref<1024x1xf32, #tpu.memory_space<vmem>>, %arg9: memref<1024x1xf32, #tpu.memory_space<vmem>>) attributes {dimension_semantics = [#tpu.dimension_semantics<arbitrary>], iteration_bounds = array<i64: 16>, scalar_prefetch = 0 : i64, scratch_operands = 0 : i64, tpu.core_type = #tpu.core_type<tc>, window_params = [{transform_indices = @transform_0, window_bounds = array<i64: 1024, 128>}, {pipeline_mode = #tpu.pipeline_mode<synchronous>, transform_indices = @transform_1, window_bounds = array<i64: 1, 128>}, {pipeline_mode = #tpu.pipeline_mode<synchronous>, transform_indices = @transform_2, window_bounds = array<i64: 1, 128>}, {pipeline_mode = #tpu.pipeline_mode<synchronous>, transform_indices = @transform_3, window_bounds = array<i64: 1, 128>}, {pipeline_mode = #tpu.pipeline_mode<synchronous>, transform_indices = @transform_4, window_bounds = array<i64: 1, 128>}, {pipeline_mode = #tpu.pipeline_mode<synchronous>, transform_indices = @transform_5, window_bounds = array<i64: 128, 1>}, {pipeline_mode = #tpu.pipeline_mode<synchronous>, transform_indices = @transform_6, window_bounds = array<i64: 1, 1>}, {transform_indices = @transform_7, window_bounds = array<i64: 1024, 1>}, {transform_indices = @transform_8, window_bounds = array<i64: 1024, 1>}]} {
    %get3A = arith.constant 0 : index
    %get3A_0 = arith.constant 0 : index
    %get3A_1 = vector.load %arg2[%get3A, %get3A_0] : memref<1x128xf32, #tpu.memory_space<vmem>>, vector<1x128xf32>
    %mul3A = arith.constant 6.10351563E-5 : f32
    %mul3A_2 = vector.broadcast %mul3A : f32 to vector<1x128xf32>
    %mul3A_3 = arith.mulf %get3A_1, %mul3A_2 : vector<1x128xf32>
    %get3A_4 = arith.constant 0 : index
    %get3A_5 = arith.constant 0 : index
    %get3A_6 = vector.load %arg3[%get3A_4, %get3A_5] : memref<1x128xf32, #tpu.memory_space<vmem>>, vector<1x128xf32>
    %mul3A_7 = arith.constant 6.10351563E-5 : f32
    %mul3A_8 = vector.broadcast %mul3A_7 : f32 to vector<1x128xf32>
    %mul3A_9 = arith.mulf %get3A_6, %mul3A_8 : vector<1x128xf32>
    %mul3A_10 = arith.mulf %mul3A_3, %mul3A_3 : vector<1x128xf32>
    %sub3A = arith.subf %mul3A_9, %mul3A_10 : vector<1x128xf32>
    %get3A_11 = arith.constant 0 : index
    %get3A_12 = arith.constant 0 : index
    %get3A_13 = vector.load %arg4[%get3A_11, %get3A_12] : memref<1x128xf32, #tpu.memory_space<vmem>>, vector<1x128xf32>
    %add3A = arith.constant 9.99999974E-6 : f32
    %add3A_14 = vector.broadcast %add3A : f32 to vector<1x128xf32>
    %add3A_15 = arith.addf %sub3A, %add3A_14 : vector<1x128xf32>
    %rsqrt3A = math.rsqrt %add3A_15 : vector<1x128xf32>
    %mul3A_16 = arith.mulf %get3A_13, %rsqrt3A : vector<1x128xf32>
    %get3A_17 = arith.constant 0 : index
    %get3A_18 = arith.constant 0 : index
    %get3A_19 = vector.load %arg5[%get3A_17, %get3A_18] : memref<1x128xf32, #tpu.memory_space<vmem>>, vector<1x128xf32>
    %mul3A_20 = arith.mulf %mul3A_3, %mul3A_16 : vector<1x128xf32>
    %sub3A_21 = arith.subf %get3A_19, %mul3A_20 : vector<1x128xf32>
    %get3A_22 = arith.constant 0 : index
    %get3A_23 = arith.constant 0 : index
    %get3A_24 = vector.load %arg1[%get3A_22, %get3A_23] : memref<1024x128xf32, #tpu.memory_space<vmem>>, vector<1024x128xf32>
    %mul3A_25 = vector.broadcast %mul3A_16 : vector<1x128xf32> to vector<1024x128xf32>
    %mul3A_26 = arith.mulf %get3A_24, %mul3A_25 : vector<1024x128xf32>
    %add3A_27 = vector.broadcast %sub3A_21 : vector<1x128xf32> to vector<1024x128xf32>
    %add3A_28 = arith.addf %mul3A_26, %add3A_27 : vector<1024x128xf32>
    %max3A = arith.constant 0.000000e+00 : f32
    %max3A_29 = vector.broadcast %max3A : f32 to vector<1024x128xf32>
    %max3A_30 = arith.maximumf %add3A_28, %max3A_29 : vector<1024x128xf32>
    %get3A_31 = arith.constant 0 : index
    %get3A_32 = arith.constant 0 : index
    %get3A_33 = vector.load %arg6[%get3A_31, %get3A_32] : memref<128x1xf32, #tpu.memory_space<vmem>>, vector<128x1xf32>
    %dot_general3A = arith.constant dense<0.000000e+00> : vector<1024x1xf32>
    %dot_general3A_34 = tpu.matmul %max3A_30, %get3A_33, %dot_general3A {dimension_numbers = #tpu.dot_dimension_numbers<[1], [0], [0], [1], [0, 0, 1, 1], [], []>, transpose_lhs_hint = false} : vector<1024x128xf32>, vector<128x1xf32>, vector<1024x1xf32> -> vector<1024x1xf32>
    %get3A_35 = arith.constant 0 : index
    %get3A_36 = arith.constant 0 : index
    %get3A_37 = vector.load %arg7[%get3A_35, %get3A_36] : memref<1x1xf32, #tpu.memory_space<vmem>>, vector<1x1xf32>
    %add3A_38 = vector.broadcast %get3A_37 : vector<1x1xf32> to vector<1024x1xf32>
    %add3A_39 = arith.addf %dot_general3A_34, %add3A_38 : vector<1024x1xf32>
    %get3A_40 = arith.constant 0 : index
    %get3A_41 = arith.constant 0 : index
    %get3A_42 = vector.load %arg8[%get3A_40, %get3A_41] : memref<1024x1xf32, #tpu.memory_space<vmem>>, vector<1024x1xf32>
    %add3A_43 = arith.addf %add3A_39, %get3A_42 : vector<1024x1xf32>
    %logistic3A = arith.negf %add3A_43 : vector<1024x1xf32>
    %logistic3A_44 = math.exp %logistic3A : vector<1024x1xf32>
    %logistic3A_45 = arith.constant 1.000000e+00 : f32
    %logistic3A_46 = vector.broadcast %logistic3A_45 : f32 to vector<1024x1xf32>
    %logistic3A_47 = arith.addf %logistic3A_46, %logistic3A_44 : vector<1024x1xf32>
    %logistic3A_48 = arith.divf %logistic3A_46, %logistic3A_47 : vector<1024x1xf32>
    %swap3A = arith.constant 0 : index
    %swap3A_49 = arith.constant 0 : index
    %swap3A_50 = vector.load %arg9[%swap3A, %swap3A_49] : memref<1024x1xf32, #tpu.memory_space<vmem>>, vector<1024x1xf32>
    tpu.vector_store %arg9[%swap3A, %swap3A_49], %logistic3A_48 {strides = array<i32>} : memref<1024x1xf32, #tpu.memory_space<vmem>>, vector<1024x1xf32>,
    return
  }
  func.func @transform_0(%arg0: i32) -> (i32, i32) {
    %c0_i32 = arith.constant 0 : i32
    %c0_i32_0 = arith.constant 0 : i32
    return %arg0, %c0_i32 : i32, i32
  }
  func.func @transform_1(%arg0: i32) -> (i32, i32) {
    %c0_i32 = arith.constant 0 : i32
    %c0_i32_0 = arith.constant 0 : i32
    %c0_i32_1 = arith.constant 0 : i32
    return %c0_i32, %c0_i32_0 : i32, i32
  }
  func.func @transform_2(%arg0: i32) -> (i32, i32) {
    %c0_i32 = arith.constant 0 : i32
    %c0_i32_0 = arith.constant 0 : i32
    %c0_i32_1 = arith.constant 0 : i32
    return %c0_i32, %c0_i32_0 : i32, i32
  }
  func.func @transform_3(%arg0: i32) -> (i32, i32) {
    %c0_i32 = arith.constant 0 : i32
    %c0_i32_0 = arith.constant 0 : i32
    %c0_i32_1 = arith.constant 0 : i32
    return %c0_i32, %c0_i32_0 : i32, i32
  }
  func.func @transform_4(%arg0: i32) -> (i32, i32) {
    %c0_i32 = arith.constant 0 : i32
    %c0_i32_0 = arith.constant 0 : i32
    %c0_i32_1 = arith.constant 0 : i32
    return %c0_i32, %c0_i32_0 : i32, i32
  }
  func.func @transform_5(%arg0: i32) -> (i32, i32) {
    %c0_i32 = arith.constant 0 : i32
    %c0_i32_0 = arith.constant 0 : i32
    %c0_i32_1 = arith.constant 0 : i32
    return %c0_i32, %c0_i32_0 : i32, i32
  }
  func.func @transform_6(%arg0: i32) -> (i32, i32) {
    %c0_i32 = arith.constant 0 : i32
    %c0_i32_0 = arith.constant 0 : i32
    %c0_i32_1 = arith.constant 0 : i32
    return %c0_i32, %c0_i32_0 : i32, i32
  }
  func.func @transform_7(%arg0: i32) -> (i32, i32) {
    %c0_i32 = arith.constant 0 : i32
    %c0_i32_0 = arith.constant 0 : i32
    return %arg0, %c0_i32 : i32, i32
  }
  func.func @transform_8(%arg0: i32) -> (i32, i32) {
    %c0_i32 = arith.constant 0 : i32
    %c0_i32_0 = arith.constant 0 : i32
    return %arg0, %c0_i32 : i32, i32
  }
}

</mosaic_0001>

<sc_bundles>
// kernel: kernel.8.cloned.1.call-start
scs
__scs_entry_jumppad:
0x0: {  	(pc) =	sbr.rel $0x88, $3  }
0x1: {  	(tag) =	ssettag $0x0;
	lr =	simm.s32 $0x1  }
0x2: {  	[smem:$0x3F92] =	sst lr;
	_ =	strace $0xD0000000  }
0x3: {  	_ = 	snop  }
0x4: {  	_ = 	snop  }
0x5: {  	_ = 	snop  }
0x6: {  	_ = 	snop  }
0x7: {  	_ = 	snop  }
__scs_overlays_trampoline_lowered:
0x8: {  	[smem:$0x3FA1] =	sst s0  }
0x9: {  	[smem:$0x3FA2] =	sst s1  }
0xa: {  	[smem:$0x3FA3] =	sst s2  }
0xb: {  	[smem:$0x3FA4] =	sst s3  }
0xc: {  	[smem:$0x3FA5] =	sst s4  }
0xd: {  	[smem:$0x3FA6] =	sst s5  }
0xe: {  	[smem:$0x3FA7] =	sst s6  }
0xf: {  	[smem:$0x3FA8] =	sst s7  }
0x10: {  	[smem:$0x3FA9] =	sst s8  }
0x11: {  	[smem:$0x3FAA] =	sst s9;
	s0 =	simm.s32 @!p0 $0x0  }
0x12: {  	s1 =	sld [smem:$0x3F90];
	s0 =	simm.s32 @p0 $0x1  }
0x13: {  	[smem:$0x3FAB] =	sst s0;
	s0 =	simm.s32 @!p1 $0x0  }
0x14: {  	s2 =	sld [smem:$0x3F8F];
	s0 =	simm.s32 @p1 $0x1  }
0x15: {  	[smem:$0x3FAC] =	sst s0;
	s0 =	simm.s32 @!p2 $0x0  }
0x16: {  	s3 =	sld [smem:$0x3FDB];
	s0 =	simm.s32 @p2 $0x1  }
0x17: {  	s4 =	simm.s32 $0x1BF5;
	[smem:$0x3FAE] =	sst s0  }
0x18: {  	s0 =	sld [smem:$0x3F91];
	_ =	swait.ge [sflag:s4], $0x0  }
0x19: {  	s7 =	sld [smem:$0x3F92]  }
0x1a: {  	s8 =	sadd.s32 $0xFFFFE003, lr  }
0x1b: {  	s9 =	sadd.s32 $0xFFFFFEF7, lr;
	s5 =	simm.s32 $0xFFFFFFFF;
	p2 =	slt.u32 s8, $0xFFFFF086  }
0x1c: {  	p1 =	slt.u32 s9, $0xF7A;
	s5 =	simm.s32 @!p2 $0x0  }
0x1d: {  	s5 =	simm.s32 @p1 $0x1;
	p0 =	seq.s32 s7, s2  }
0x1e: {  	s7 =	smul.u32 @!p0 $0xF7A, s2;
	p2 =	seq.s32 @!p0 s5, $0x0  }
0x1f: {  	s9 =	smul.u32 $0xF7A, s1;
	s8 =	simm.s32 @!p0 $0x1BF5;
	p2 =	por !p2, p0  }
0x20: {  	[sflag:s8] =	ssyncset.s32 @!p0 $0xFFFFF086;
	s6 =	sadd.s32 @!p0 s3, s7;
	s7 =	simm.s32 @!p0 $0x108  }
0x21: {  	s3 =	sadd.s32 s3, s9;
	s6 =	sadd.s32 @!p0 $0x88, s6;
	s7 =	simm.s32 @p2 $0x1082  }
0x22: {  	[simem:s7], [sflag:s8] =	dma.local @!p0 [hbm:s6], $0xF7A  }
0x23: {  	s9 =	sor.u32 $0xD0000000, s2;
	s6 =	simm.s32 $0x108;
	_ =	swait.ge @!p0 [sflag:s8], $0x0  }
0x24: {  	s3 =	sadd.s32 $0x88, s3;
	s6 =	simm.s32 @!p1 $0x1082;
	[sflag:s4] =	ssyncset.s32 $0xFFFFF086  }
0x25: {  	[simem:s6], [sflag:s4] =	dma.local [hbm:s3], $0xF7A  }
0x26: {  	[smem:$0x3F92] =	sst s1;
	(tag) =	ssettag s2;
	_ =	strace s9  }
0x27: {  	s1 =	sld [smem:$0x3FA2]  }
0x28: {  	s2 =	sld [smem:$0x3FA3]  }
0x29: {  	s4 =	sld [smem:$0x3FA5]  }
0x2a: {  	p0 =	seq.s32 s5, $0x0;
	s5 =	sld [smem:$0x3FA6]  }
0x2b: {  	s6 =	sld [smem:$0x3FA7]  }
0x2c: {  	s7 =	sld [smem:$0x3FA8]  }
0x2d: {  	s3 =	simm.s32 $0x108;
	s8 =	sld [smem:$0x3FA9]  }
0x2e: {  	s3 =	simm.s32 @!p0 $0x1082;
	s9 =	sld [smem:$0x3FAA]  }
0x2f: {  	lr =	sadd.s32 s0, s3;
	s0 =	sld [smem:$0x3FA1]  }
0x30: {  	s3 =	sld [smem:$0x3FA4]  }
0x31: {  	[smem:$0x3FAD] =	sst s10  }
0x32: {  	s10 =	sld [smem:$0x3FAB];
	_ =	sdelay $0x3  }
0x33: {  	p0 =	seq.s32 s10, $0x1;
	s10 =	sld [smem:$0x3FAD];
	_ =	sdelay $0x3  }
0x34: {  	[smem:$0x3FAD] =	sst s10  }
0x35: {  	s10 =	sld [smem:$0x3FAC];
	_ =	sdelay $0x3  }
0x36: {  	p1 =	seq.s32 s10, $0x1;
	s10 =	sld [smem:$0x3FAD];
	_ =	sdelay $0x3  }
0x37: {  	[smem:$0x3FAD] =	sst s10  }
0x38: {  	s10 =	sld [smem:$0x3FAE]  }
0x39: {  	_ = 	snop;
	(pc) =	sbr.ind lr, $3  }
0x3a: {  	_ = 	snop  }
0x3b: {  	_ = 	snop  }
0x3c: {  	p2 =	seq.s32 s10, $0x1;
	s10 =	sld [smem:$0x3FAD]  }
0x3d: {  	_ =	shalt  }
0x3e: {  	_ =	shalt  }
0x3f: {  	_ =	shalt  }
0x40: {  	_ =	shalt  }
0x41: {  	_ =	shalt  }
0x42: {  	_ =	shalt  }
0x43: {  	_ =	shalt  }
0x44: {  	_ =	shalt  }
0x45: {  	_ =	shalt  }
0x46: {  	_ =	shalt  }
0x47: {  	_ =	shalt  }
0x48: {  	_ =	shalt  }
0x49: {  	_ =	shalt  }
0x4a: {  	_ =	shalt  }
0x4b: {  	_ =	shalt  }
0x4c: {  	_ =	shalt  }
0x4d: {  	_ =	shalt  }
0x4e: {  	_ =	shalt  }
0x4f: {  	_ =	shalt  }
0x50: {  	_ =	shalt  }
0x51: {  	_ =	shalt  }
0x52: {  	_ =	shalt  }
0x53: {  	_ =	shalt  }
0x54: {  	_ =	shalt  }
0x55: {  	_ =	shalt  }
0x56: {  	_ =	shalt  }
0x57: {  	_ =	shalt  }
0x58: {  	_ =	shalt  }
0x59: {  	_ =	shalt  }
0x5a: {  	_ =	shalt  }
0x5b: {  	_ =	shalt  }
0x5c: {  	_ =	shalt  }
0x5d: {  	_ =	shalt  }
0x5e: {  	_ =	shalt  }
0x5f: {  	_ =	shalt  }
0x60: {  	_ =	shalt  }
0x61: {  	_ =	shalt  }
0x62: {  	_ =	shalt  }
0x63: {  	_ =	shalt  }
0x64: {  	_ =	shalt  }
0x65: {  	_ =	shalt  }
0x66: {  	_ =	shalt  }
0x67: {  	_ =	shalt  }
0x68: {  	_ =	shalt  }
0x69: {  	_ =	shalt  }
0x6a: {  	_ =	shalt  }
0x6b: {  	_ =	shalt  }
0x6c: {  	_ =	shalt  }
0x6d: {  	_ =	shalt  }
0x6e: {  	_ =	shalt  }
0x6f: {  	_ =	shalt  }
0x70: {  	_ =	shalt  }
0x71: {  	_ =	shalt  }
0x72: {  	_ =	shalt  }
0x73: {  	_ =	shalt  }
0x74: {  	_ =	shalt  }
0x75: {  	_ =	shalt  }
0x76: {  	_ =	shalt  }
0x77: {  	_ =	shalt  }
0x78: {  	_ =	shalt  }
0x79: {  	_ =	shalt  }
0x7a: {  	_ =	shalt  }
0x7b: {  	_ =	shalt  }
0x7c: {  	_ =	shalt  }
0x7d: {  	_ =	shalt  }
0x7e: {  	_ =	shalt  }
0x7f: {  	_ =	shalt  }
0x80: {  	_ =	shalt  }
0x81: {  	_ =	shalt  }
0x82: {  	_ =	shalt  }
0x83: {  	_ =	shalt  }
0x84: {  	_ =	shalt  }
0x85: {  	_ =	shalt  }
0x86: {  	_ =	shalt  }
0x87: {  	_ =	shalt  }
.Lfunc_end0:
.L_simem_size_0:
called_computation_lowered:
.L_overlay_start_0:
0x88: {  	s2 =	sld [smem:$0x3FD9]  }
0x89: {  	s3 =	sld [smem:$0x3FFE];
	_ =	sdelay $0x1  }
0x8a: {  	s1 =	srdreg.scid  }
0x8b: {  	s0 =	sand.u32 $0x1, s1  }
0x8c: {  	s16 =	sshll.u32 s0, $0xA;
	s2 =	sadd.s32 s3, s2  }
0x8d: {  	s2 =	sadd.s32 s2, s16  }
0x8e: {  	[smem:$0x3FB9] =	sst s2  }
0x8f: {  	_ = 	snop  }
0x90: {  	(tm) =	ssettm $0x1  }
0x91: {  	s17 =	sld [smem:$0x3FFB];
	_ =	sdelay $0x3  }
0x92: {  	_ =	strace s17  }
0x93: {  	s2 =	sld [smem:$0x3FFC];
	_ =	sdelay $0x3  }
0x94: {  	_ =	strace s2  }
0x95: {  	s2 =	sld [smem:$0x3FFD];
	_ =	sdelay $0x3  }
0x96: {  	_ =	strace s2  }
0x97: {  	_ =	strace $0x8FFFFFFF  }
0x98: {  	s18 =	sld [smem:$0x3FDB];
	_ =	sdelay $0x1  }
0x99: {  	s19 =	simm.s32 $_scs_section_size  }
0x9a: {  	s4 =	simm.s32 $_size__tile_overlayer_lowered;
	s5 =	simm.s32 $_tile_overlayer_lowered  }
0x9b: {  	s22 =	simm.s32 $0x1BFF;
	s21 =	sshll.u32 s5, $0x1;
	s2 =	sadd.s32 s19, s18  }
0x9c: {  	s6 =	simm.s32 $0x0;
	s20 =	sshll.u32 s4, $0x1;
	s4 =	sadd.s32 s21, s2  }
0x9d: {  	[timem:s6], [sflag:s22] =	dma.local [hbm:s4], s20  }
0x9e: {  	_ =	swait.ge [sflag:s22], s20  }
0x9f: {  	s3 =	ssub.s32 $0x0, s20;
	[sflag:s22] =	ssyncset.done $0x0  }
0xa0: {  	[sflag:s22] =	ssyncadd.s32 s3;
	_ =	sdelay $0x1  }
0xa1: {  	s23 =	simm.s32 $0x1B8B  }
0xa2: {  	_ =	swait.ge [sflag:s23], $0x1  }
0xa3: {  	[sflag:s23] =	ssyncset.done $0x0  }
0xa4: {  	s25 =	simm.s32 $0x1B8E;
	s24 =	sld [smem:$0x3FFE];
	[sflag:s23] =	ssyncadd.s32 $0xFFFFFFFF  }
0xa5: {  	s26 =	simm.s32 $execute0_lowered;
	[smem:$0x3FD2] =	sst s25  }
0xa6: {  	s4 =	sshll.u32 s26, $0x1;
	_ =	strace $0x80000046;
	[dreg:$0x1] =	wrdreg $0xFFFFFFFF  }
0xa7: {  	s28 =	simm.s32 $_size_execute0_lowered;
	s2 =	sadd.s32 s2, s4;
	[dreg:$0x0] =	wrdreg $0x0  }
0xa8: {  	s4 =	sshll.u32 s28, $0x1;
	[dreg:$0x2] =	wrdreg s2  }
0xa9: {  	[dreg:$0x3] =	wrdreg s4  }
0xaa: {  	[dreg:$0x4] =	wrdreg $0xC0  }
0xab: {  	_ =	task [dreg:s6], $0x5FFFF  }
0xac: {  	[dreg:$0x1] =	wrdreg $0xFFFFFFFF  }
0xad: {  	[dreg:$0x0] =	wrdreg $0x60  }
0xae: {  	[dreg:$0x2] =	wrdreg s24  }
0xaf: {  	[dreg:$0x3] =	wrdreg $0x9  }
0xb0: {  	_ =	task.clear_ibuf [dreg:s6], $0x4FFFF;
	_ =	strace $0x90000046  }
0xb1: {  	s29 =	simm.s32 $0x9;
	_ =	strace $0x80000048  }
0xb2: {  	_ =	swait.ge [sflag:s29], $0x1  }
0xb3: {  	[sflag:s29] =	ssyncadd.s32 $0xFFFFFFFF  }
0xb4: {  	_ =	strace $0x90000048  }
0xb5: {  	_ =	sfence  }
0xb6: {  	s30 =	sld [smem:$0x0];
	_ =	sdelay $0x2  }
0xb7: {  	s31 =	sshll.u32 s1, $0xD;
	s1 =	sshrl.u32 s1, $0x2  }
0xb8: {  	s3 =	sand.u32 $0x4000, s31;
	s1 =	sadd.s32 s1, s30  }
0xb9: {  	s0 =	sor.u32 s3, s0;
	s1 =	sshll.u32 s1, $0x11  }
0xba: {  	s0 =	sor.u32 s1, s0  }
0xbb: {  	s0 =	sadd.s32 $0x8F2B, s0  }
0xbc: {  	[sflag:s0] =	ssyncadd.remote.s32 $0x1  }
0xbd: {  	_ =	sfence.sel $0xFFFF  }
0xbe: {  	[dreg:$0x0] =	wrdreg $0xFFFFFFFF;
	(pc) =	sbr.abs _section_cstart, $3  }
0xbf: {  	[dreg:$0x1] =	wrdreg $0xFFFFFFFF  }
0xc0: {  	_ =	task.clear_ibuf [dreg:s6], $0x2FFFF;
	_ =	strace $0x9FFFFFFF  }
0xc1: {  	(tm) =	ssettm $0x7FFFFFFF  }
tec
execute0_lowered:
.L_overlay_start_1:
0x0: {  	(tag) =	ssettag $0x1  }
0x1: {  	s0 =	rddreg [dreg:$0x0];
	s3 =	srdreg.scid  }
0x2: {  	s2 =	simm.s32 $0x0;
	s1 =	stileid.u32;
	s11 =	simm.s32 $0x2  }
0x3: {  	s12 =	simm.s32 $0x80;
	s13 =	simm.s32 $0x4000;
	s14 =	simm.s32 $0x4800  }
0x4: {  	s15 =	simm.s32 $0x5000;
	s16 =	simm.s32 $0x5800;
	s17 =	simm.s32 $0x6000  }
0x5: {  	s18 =	simm.s32 $0x6800;
	s19 =	simm.s32 $0x7000;
	s20 =	simm.s32 $0x7800  }
0x6: {  	s21 =	simm.s32 $0x1;
	s22 =	simm.s32 $0x8000;
	s23 =	simm.s32 $0x9000  }
0x7: {  	s24 =	simm.s32 $0xA000;
	s25 =	simm.s32 $0xB000;
	s26 =	simm.s32 $0x0  }
0x8: {  	s3 =	sand.u32 $0x1, s3;
	[smem:$0x7FF] =	sst s2;
	s4 =	sshll.u32 s1, $0xC  }
0x9: {  	s9 =	sadd.s32 $0x54E000, s0;
	s5 =	sshll.u32 s3, $0xB;
	_ =	strace $0x80000047  }
0xa: {  	s31 =	ssub.s32 $0x2, s3;
	s3 =	sadd.s32 $0x52600, s0;
	s6 =	sor.u32 s5, s4  }
0xb: {  	s8 =	sshrl.u32 s31, $0x1;
	s4 =	sadd.s32 $0x548000, s0;
	s7 =	sadd.s32 s6, s0  }
0xc: {  	s10 =	ssub.s32 s31, s8;
	s6 =	sshll.u32 s6, $0x4;
	s8 =	sadd.s32 $0x54C000, s0  }
0xd: {  	s5 =	sadd.s32 $0x42600, s7;
	s7 =	sadd.s32 $0x54A000, s0;
	s10 =	smax.u32 s10, $0x1  }
.LBB2_1:
0xe: {  	[tilespmem:s2], [sflag:$0x2] =	stream.linear.gather [hbm4b:s5+s2], $0x4000, $0x38;
	[tilespmem:$0xC000] =	vst v63  }
0xf: {  	_ =	swait.ge [sflag:s11], $0x4000  }
0x10: {  	[sflag:s11] =	ssyncset.done $0x0  }
0x11: {  	s28 =	simm.s32 $0x0;
	[sflag:s11] =	ssyncadd.s32 $0xFFFFC000  }
.LBB2_2:
0x12: {  	s0 =	sshll.u32 s28, $0xA  }
0x13: {  	s0 =	sand.u32 $0x3FFFFC00, s0  }
0x14: {  	[tilespmem:s13], [sflag:$0x1] =	stream.indirect.gather [hbm4b:s3+s12], $0x10, s0, s12, $0xb8;
	[tilespmem:$0xC000] =	vst v63  }
0x15: {  	s29 =	sor.u32 $0x80, s0  }
0x16: {  	[tilespmem:s14], [sflag:$0x1] =	stream.indirect.gather [hbm4b:s3+s12], $0x10, s29, s12, $0xb8;
	[tilespmem:$0xC000] =	vst v63  }
0x17: {  	s29 =	sor.u32 $0x100, s0  }
0x18: {  	[tilespmem:s15], [sflag:$0x1] =	stream.indirect.gather [hbm4b:s3+s12], $0x10, s29, s12, $0xb8;
	[tilespmem:$0xC000] =	vst v63  }
0x19: {  	s29 =	sor.u32 $0x180, s0  }
0x1a: {  	[tilespmem:s16], [sflag:$0x1] =	stream.indirect.gather [hbm4b:s3+s12], $0x10, s29, s12, $0xb8;
	[tilespmem:$0xC000] =	vst v63  }
0x1b: {  	s29 =	sor.u32 $0x200, s0  }
0x1c: {  	[tilespmem:s17], [sflag:$0x1] =	stream.indirect.gather [hbm4b:s3+s12], $0x10, s29, s12, $0xb8;
	[tilespmem:$0xC000] =	vst v63  }
0x1d: {  	s29 =	sor.u32 $0x280, s0  }
0x1e: {  	[tilespmem:s18], [sflag:$0x1] =	stream.indirect.gather [hbm4b:s3+s12], $0x10, s29, s12, $0xb8;
	[tilespmem:$0xC000] =	vst v63  }
0x1f: {  	s29 =	sor.u32 $0x300, s0  }
0x20: {  	[tilespmem:s19], [sflag:$0x1] =	stream.indirect.gather [hbm4b:s3+s12], $0x10, s29, s12, $0xb8;
	[tilespmem:$0xC000] =	vst v63  }
0x21: {  	s0 =	sor.u32 $0x380, s0  }
0x22: {  	[tilespmem:s20], [sflag:$0x1] =	stream.indirect.gather [hbm4b:s3+s12], $0x10, s0, s12, $0xb8;
	[tilespmem:$0xC000] =	vst v63  }
0x23: {  	_ =	swait.ge [sflag:s21], $0x800  }
0x24: {  	[sflag:s21] =	ssyncset.done $0x0  }
0x25: {  	[sflag:s21] =	ssyncadd.s32 $0xFFFFF800  }
0x26: {  	_ =	swait.ge [sflag:s21], $0x800  }
0x27: {  	[sflag:s21] =	ssyncset.done $0x0  }
0x28: {  	[sflag:s21] =	ssyncadd.s32 $0xFFFFF800  }
0x29: {  	_ =	swait.ge [sflag:s21], $0x800  }
0x2a: {  	[sflag:s21] =	ssyncset.done $0x0  }
0x2b: {  	[sflag:s21] =	ssyncadd.s32 $0xFFFFF800  }
0x2c: {  	_ =	swait.ge [sflag:s21], $0x800  }
0x2d: {  	[sflag:s21] =	ssyncset.done $0x0  }
0x2e: {  	[sflag:s21] =	ssyncadd.s32 $0xFFFFF800  }
0x2f: {  	_ =	swait.ge [sflag:s21], $0x800  }
0x30: {  	[sflag:s21] =	ssyncset.done $0x0  }
0x31: {  	[sflag:s21] =	ssyncadd.s32 $0xFFFFF800  }
0x32: {  	_ =	swait.ge [sflag:s21], $0x800  }
0x33: {  	[sflag:s21] =	ssyncset.done $0x0  }
0x34: {  	[sflag:s21] =	ssyncadd.s32 $0xFFFFF800  }
0x35: {  	_ =	swait.ge [sflag:s21], $0x800  }
0x36: {  	[sflag:s21] =	ssyncset.done $0x0  }
0x37: {  	[sflag:s21] =	ssyncadd.s32 $0xFFFFF800  }
0x38: {  	_ =	swait.ge [sflag:s21], $0x800  }
0x39: {  	[sflag:s21] =	ssyncset.done $0x0  }
0x3a: {  	s30 =	simm.s32 $0x4100;
	[sflag:s21] =	ssyncadd.s32 $0xFFFFF800  }
0x3b: {  	s31 =	simm.s32 $0x4300;
	s29 =	simm.s32 $0x4100;
	v0 =	vld [tilespmem:s30+$0xFFFFFF00]  }
.LBB2_3:
0x3c: {  	p0 =	sne.s32 s31, $0x7F00;
	_ =	sdelay $0x2  }
0x3d: {  	s0 =	sshra.s32 s30, $0x2;
	s30 =	smov.u32 s31  }
0x3e: {  	[tilespmem:s0+$0x6FC0] =	vst v0  }
0x3f: {  	v0 =	vld [tilespmem:s29+$0xFFFFFF10];
	_ =	sdelay $0x4  }
0x40: {  	[tilespmem:s0+$0x6FD0] =	vst v0  }
0x41: {  	v0 =	vld [tilespmem:s29+$0xFFFFFF20];
	_ =	sdelay $0x4  }
0x42: {  	[tilespmem:s0+$0x6FE0] =	vst v0  }
0x43: {  	v0 =	vld [tilespmem:s29+$0xFFFFFF30];
	_ =	sdelay $0x4  }
0x44: {  	[tilespmem:s0+$0x6FF0] =	vst v0  }
0x45: {  	v0 =	vld [tilespmem:s29+$0xFFFFFF40];
	_ =	sdelay $0x4  }
0x46: {  	[tilespmem:s0+$0x7000] =	vst v0  }
0x47: {  	v0 =	vld [tilespmem:s29+$0xFFFFFF50];
	_ =	sdelay $0x4  }
0x48: {  	[tilespmem:s0+$0x7010] =	vst v0  }
0x49: {  	v0 =	vld [tilespmem:s29+$0xFFFFFF60];
	_ =	sdelay $0x4  }
0x4a: {  	[tilespmem:s0+$0x7020] =	vst v0  }
0x4b: {  	v0 =	vld [tilespmem:s29+$0xFFFFFF70];
	_ =	sdelay $0x4  }
0x4c: {  	[tilespmem:s0+$0x7030] =	vst v0  }
0x4d: {  	v0 =	vld [tilespmem:s29+$0xFFFFFF80];
	_ =	sdelay $0x4  }
0x4e: {  	[tilespmem:s0+$0x7FC0] =	vst v0  }
0x4f: {  	v0 =	vld [tilespmem:s29+$0xFFFFFF90];
	_ =	sdelay $0x4  }
0x50: {  	[tilespmem:s0+$0x7FD0] =	vst v0  }
0x51: {  	v0 =	vld [tilespmem:s29+$0xFFFFFFA0];
	_ =	sdelay $0x4  }
0x52: {  	[tilespmem:s0+$0x7FE0] =	vst v0  }
0x53: {  	v0 =	vld [tilespmem:s29+$0xFFFFFFB0];
	_ =	sdelay $0x4  }
0x54: {  	[tilespmem:s0+$0x7FF0] =	vst v0  }
0x55: {  	v0 =	vld [tilespmem:s29+$0xFFFFFFC0];
	_ =	sdelay $0x4  }
0x56: {  	[tilespmem:s0+$0x8000] =	vst v0  }
0x57: {  	v0 =	vld [tilespmem:s29+$0xFFFFFFD0];
	_ =	sdelay $0x4  }
0x58: {  	[tilespmem:s0+$0x8010] =	vst v0  }
0x59: {  	v0 =	vld [tilespmem:s29+$0xFFFFFFE0];
	_ =	sdelay $0x4  }
0x5a: {  	[tilespmem:s0+$0x8020] =	vst v0  }
0x5b: {  	v0 =	vld [tilespmem:s29+$0xFFFFFFF0];
	_ =	sdelay $0x4  }
0x5c: {  	[tilespmem:s0+$0x8030] =	vst v0  }
0x5d: {  	v0 =	vld [tilespmem:s29+$0x0];
	_ =	sdelay $0x4  }
0x5e: {  	[tilespmem:s0+$0x8FC0] =	vst v0  }
0x5f: {  	v0 =	vld [tilespmem:s29+$0x10];
	_ =	sdelay $0x4  }
0x60: {  	[tilespmem:s0+$0x8FD0] =	vst v0  }
0x61: {  	v0 =	vld [tilespmem:s29+$0x20];
	_ =	sdelay $0x4  }
0x62: {  	[tilespmem:s0+$0x8FE0] =	vst v0  }
0x63: {  	v0 =	vld [tilespmem:s29+$0x30];
	_ =	sdelay $0x4  }
0x64: {  	[tilespmem:s0+$0x8FF0] =	vst v0  }
0x65: {  	v0 =	vld [tilespmem:s29+$0x40];
	_ =	sdelay $0x4  }
0x66: {  	[tilespmem:s0+$0x9000] =	vst v0  }
0x67: {  	v0 =	vld [tilespmem:s29+$0x50];
	_ =	sdelay $0x4  }
0x68: {  	[tilespmem:s0+$0x9010] =	vst v0  }
0x69: {  	v0 =	vld [tilespmem:s29+$0x60];
	_ =	sdelay $0x4  }
0x6a: {  	[tilespmem:s0+$0x9020] =	vst v0  }
0x6b: {  	v0 =	vld [tilespmem:s29+$0x70];
	_ =	sdelay $0x4  }
0x6c: {  	[tilespmem:s0+$0x9030] =	vst v0  }
0x6d: {  	v0 =	vld [tilespmem:s29+$0x80];
	_ =	sdelay $0x4  }
0x6e: {  	[tilespmem:s0+$0x9FC0] =	vst v0  }
0x6f: {  	v0 =	vld [tilespmem:s29+$0x90];
	_ =	sdelay $0x4  }
0x70: {  	[tilespmem:s0+$0x9FD0] =	vst v0  }
0x71: {  	v0 =	vld [tilespmem:s29+$0xA0];
	_ =	sdelay $0x4  }
0x72: {  	[tilespmem:s0+$0x9FE0] =	vst v0  }
0x73: {  	v0 =	vld [tilespmem:s29+$0xB0];
	_ =	sdelay $0x4  }
0x74: {  	[tilespmem:s0+$0x9FF0] =	vst v0  }
0x75: {  	v0 =	vld [tilespmem:s29+$0xC0];
	_ =	sdelay $0x4  }
0x76: {  	[tilespmem:s0+$0xA000] =	vst v0  }
0x77: {  	v0 =	vld [tilespmem:s29+$0xD0];
	_ =	sdelay $0x4  }
0x78: {  	[tilespmem:s0+$0xA010] =	vst v0  }
0x79: {  	v0 =	vld [tilespmem:s29+$0xE0];
	_ =	sdelay $0x4  }
0x7a: {  	[tilespmem:s0+$0xA020] =	vst v0  }
0x7b: {  	v0 =	vld [tilespmem:s29+$0xF0];
	_ =	sdelay $0x1  }
.Ltmp0:
0x7c: {  	(pc) =	sbr.rel @p0 .LBB2_3-.Ltmp0, $3  }
0x7d: {  	_ =	sdelay $0x1  }
0x7e: {  	s29 =	sadd.s32 $0x200, s29;
	[tilespmem:s0+$0xA030] =	vst v0  }
0x7f: {  	s31 =	sadd.s32 $0x200, s31;
	v0 =	vld [tilespmem:s29+$0xFFFFFF00]  }
0x80: {  	_ =	sdelay $0x2  }
0x81: {  	s0 =	sshra.s32 s30, $0x2  }
0x82: {  	[tilespmem:s0+$0x6FC0] =	vst v0  }
0x83: {  	v0 =	vld [tilespmem:s29+$0xFFFFFF10];
	_ =	sdelay $0x4  }
0x84: {  	[tilespmem:s0+$0x6FD0] =	vst v0  }
0x85: {  	v0 =	vld [tilespmem:s29+$0xFFFFFF20];
	_ =	sdelay $0x4  }
0x86: {  	[tilespmem:s0+$0x6FE0] =	vst v0  }
0x87: {  	v0 =	vld [tilespmem:s29+$0xFFFFFF30];
	_ =	sdelay $0x4  }
0x88: {  	[tilespmem:s0+$0x6FF0] =	vst v0  }
0x89: {  	v0 =	vld [tilespmem:s29+$0xFFFFFF40];
	_ =	sdelay $0x4  }
0x8a: {  	[tilespmem:s0+$0x7000] =	vst v0  }
0x8b: {  	v0 =	vld [tilespmem:s29+$0xFFFFFF50];
	_ =	sdelay $0x4  }
0x8c: {  	[tilespmem:s0+$0x7010] =	vst v0  }
0x8d: {  	v0 =	vld [tilespmem:s29+$0xFFFFFF60];
	_ =	sdelay $0x4  }
0x8e: {  	[tilespmem:s0+$0x7020] =	vst v0  }
0x8f: {  	v0 =	vld [tilespmem:s29+$0xFFFFFF70];
	_ =	sdelay $0x4  }
0x90: {  	[tilespmem:s0+$0x7030] =	vst v0  }
0x91: {  	v0 =	vld [tilespmem:s29+$0xFFFFFF80];
	_ =	sdelay $0x4  }
0x92: {  	[tilespmem:s0+$0x7FC0] =	vst v0  }
0x93: {  	v0 =	vld [tilespmem:s29+$0xFFFFFF90];
	_ =	sdelay $0x4  }
0x94: {  	[tilespmem:s0+$0x7FD0] =	vst v0  }
0x95: {  	v0 =	vld [tilespmem:s29+$0xFFFFFFA0];
	_ =	sdelay $0x4  }
0x96: {  	[tilespmem:s0+$0x7FE0] =	vst v0  }
0x97: {  	v0 =	vld [tilespmem:s29+$0xFFFFFFB0];
	_ =	sdelay $0x4  }
0x98: {  	[tilespmem:s0+$0x7FF0] =	vst v0  }
0x99: {  	v0 =	vld [tilespmem:s29+$0xFFFFFFC0];
	_ =	sdelay $0x4  }
0x9a: {  	[tilespmem:s0+$0x8000] =	vst v0  }
0x9b: {  	v0 =	vld [tilespmem:s29+$0xFFFFFFD0];
	_ =	sdelay $0x4  }
0x9c: {  	[tilespmem:s0+$0x8010] =	vst v0  }
0x9d: {  	v0 =	vld [tilespmem:s29+$0xFFFFFFE0];
	_ =	sdelay $0x4  }
0x9e: {  	[tilespmem:s0+$0x8020] =	vst v0  }
0x9f: {  	v0 =	vld [tilespmem:s29+$0xFFFFFFF0];
	_ =	sdelay $0x4  }
0xa0: {  	[tilespmem:s0+$0x8030] =	vst v0  }
0xa1: {  	v0 =	vld [tilespmem:s29+$0x0];
	_ =	sdelay $0x4  }
0xa2: {  	[tilespmem:s0+$0x8FC0] =	vst v0  }
0xa3: {  	v0 =	vld [tilespmem:s29+$0x10];
	_ =	sdelay $0x4  }
0xa4: {  	[tilespmem:s0+$0x8FD0] =	vst v0  }
0xa5: {  	v0 =	vld [tilespmem:s29+$0x20];
	_ =	sdelay $0x4  }
0xa6: {  	[tilespmem:s0+$0x8FE0] =	vst v0  }
0xa7: {  	v0 =	vld [tilespmem:s29+$0x30];
	_ =	sdelay $0x4  }
0xa8: {  	[tilespmem:s0+$0x8FF0] =	vst v0  }
0xa9: {  	v0 =	vld [tilespmem:s29+$0x40];
	_ =	sdelay $0x4  }
0xaa: {  	[tilespmem:s0+$0x9000] =	vst v0  }
0xab: {  	v0 =	vld [tilespmem:s29+$0x50];
	_ =	sdelay $0x4  }
0xac: {  	[tilespmem:s0+$0x9010] =	vst v0  }
0xad: {  	v0 =	vld [tilespmem:s29+$0x60];
	_ =	sdelay $0x4  }
0xae: {  	[tilespmem:s0+$0x9020] =	vst v0  }
0xaf: {  	v0 =	vld [tilespmem:s29+$0x70];
	_ =	sdelay $0x4  }
0xb0: {  	[tilespmem:s0+$0x9030] =	vst v0  }
0xb1: {  	v0 =	vld [tilespmem:s29+$0x80];
	_ =	sdelay $0x4  }
0xb2: {  	[tilespmem:s0+$0x9FC0] =	vst v0  }
0xb3: {  	v0 =	vld [tilespmem:s29+$0x90];
	_ =	sdelay $0x4  }
0xb4: {  	[tilespmem:s0+$0x9FD0] =	vst v0  }
0xb5: {  	v0 =	vld [tilespmem:s29+$0xA0];
	_ =	sdelay $0x4  }
0xb6: {  	[tilespmem:s0+$0x9FE0] =	vst v0  }
0xb7: {  	v0 =	vld [tilespmem:s29+$0xB0];
	_ =	sdelay $0x4  }
0xb8: {  	[tilespmem:s0+$0x9FF0] =	vst v0  }
0xb9: {  	v0 =	vld [tilespmem:s29+$0xC0];
	_ =	sdelay $0x4  }
0xba: {  	[tilespmem:s0+$0xA000] =	vst v0  }
0xbb: {  	v0 =	vld [tilespmem:s29+$0xD0];
	_ =	sdelay $0x4  }
0xbc: {  	[tilespmem:s0+$0xA010] =	vst v0  }
0xbd: {  	v0 =	vld [tilespmem:s29+$0xE0];
	_ =	sdelay $0x4  }
0xbe: {  	[tilespmem:s0+$0xA020] =	vst v0  }
0xbf: {  	v0 =	vld [tilespmem:s29+$0xF0];
	_ =	sdelay $0x2  }
0xc0: {  	s31 =	sshll.u32 s28, $0x9  }
0xc1: {  	s29 =	sadd.s32 s6, s31  }
0xc2: {  	s30 =	sadd.s32 s4, s29;
	[tilespmem:s0+$0xA030] =	vst v0  }
0xc3: {  	[hbm4b:s30+s2] =	stream.linear.scatter [tilespmem:s22], [sflag:$0x2], $0x1000, $0x38;
	[tilespmem:$0xC000] =	vst v63  }
0xc4: {  	_ =	swait.ge [sflag:s11], $0x1000  }
0xc5: {  	[sflag:s11] =	ssyncset.done $0x0  }
0xc6: {  	s31 =	sadd.s32 s29, s7;
	[sflag:s11] =	ssyncadd.s32 $0xFFFFF000  }
0xc7: {  	[hbm4b:s31+s2] =	stream.linear.scatter [tilespmem:s23], [sflag:$0x2], $0x1000, $0x38;
	[tilespmem:$0xC000] =	vst v63  }
0xc8: {  	_ =	swait.ge [sflag:s11], $0x1000  }
0xc9: {  	[sflag:s11] =	ssyncset.done $0x0  }
0xca: {  	s30 =	sadd.s32 s29, s8;
	[sflag:s11] =	ssyncadd.s32 $0xFFFFF000  }
0xcb: {  	[hbm4b:s30+s2] =	stream.linear.scatter [tilespmem:s24], [sflag:$0x2], $0x1000, $0x38;
	[tilespmem:$0xC000] =	vst v63  }
0xcc: {  	s28 =	sadd.s32 $0x1, s28;
	_ =	swait.ge [sflag:s11], $0x1000  }
0xcd: {  	p0 =	sne.s32 s28, $0x10;
	[sflag:s11] =	ssyncset.done $0x0  }
.Ltmp1:
0xce: {  	s31 =	sadd.s32 s29, s9;
	[sflag:s11] =	ssyncadd.s32 $0xFFFFF000;
	(pc) =	sbr.rel @p0 .LBB2_2-.Ltmp1, $4  }
0xcf: {  	[hbm4b:s31+s2] =	stream.linear.scatter [tilespmem:s25], [sflag:$0x2], $0x1000, $0x38;
	[tilespmem:$0xC000] =	vst v63  }
0xd0: {  	_ =	swait.ge [sflag:s11], $0x1000  }
0xd1: {  	[sflag:s11] =	ssyncset.done $0x0  }
0xd2: {  	[sflag:s11] =	ssyncadd.s32 $0xFFFFF000  }
0xd3: {  	s26 =	sadd.s32 $0x1, s26  }
0xd4: {  	p0 =	sne.s32 s26, s10  }
.Ltmp2:
0xd5: {  	_ = 	snop;
	(pc) =	sbr.rel @p0 .LBB2_1-.Ltmp2, $1  }
0xd6: {  	_ =	sdelay $0x3  }
0xd7: {  	_ =	sfence.sel $0x180000  }
0xd8: {  	[bflag:$0x0] =	sbarrier.arrive $0xFFFF  }
0xd9: {  	_ =	strace $0x90000047  }
0xda: {  	[bflag:$0x2] =	sbarrier.arrive $0xFFFF  }
0xdb: {  	p0 =	sne.s32 s1, $0x0;
	s0 =	rddreg [dreg:$0x1]  }
0xdc: {  	s0 =	sadd.s32 @!p0 $0x100000, s0  }
0xdd: {  	[sflag:s0] =	ssyncadd.tile.s32 @!p0 $0x1;
	_ =	shalt  }
.Lfunc_end2:
_tile_overlayer_lowered:
.L_overlay_start_2:
0xde: {  	(tag) =	ssettag $0x2  }
0xdf: {  	s0 =	rddreg [dreg:$0x0];
	s2 =	stileid.u32  }
0xe0: {  	s1 =	rddreg [dreg:$0x1];
	p0 =	sne.s32 s2, $0x0  }
0xe1: {  	s3 =	rddreg [dreg:$0x2];
	[bflag:$0x3] =	sbarrier.arrive $0xFFFF;
	s2 =	simm.s32 @!p0 $0x1C02  }
0xe2: {  	[timem:s3], [sflag:s2] =	dma.local @!p0 [hbm:s0], s1  }
0xe3: {  	s0 =	simm.s32 @!p0 $0x2  }
0xe4: {  	_ =	swait.ge @!p0 [sflag:s0], s1  }
0xe5: {  	s1 =	ssub.s32 @!p0 $0x0, s1;
	[sflag:s0] =	ssyncset.done @!p0 $0x0  }
0xe6: {  	[sflag:s0] =	ssyncadd.s32 @!p0 s1  }
0xe7: {  	[bflag:$0x3] =	sbarrier.arrive $0xFFFF  }
0xe8: {  	_ =	shalt  }

</sc_bundles>
